<compile_context>
chip_gen: v7x
topology: tpu7x:2x2x1
jax: 0.10.2.dev20260603
libtpu: 0.0.44.dev20260713+nightly
codegen_flags: <defaults>
</compile_context>

<pallas_src>
import functools

import jax
import jax.numpy as jnp
from jax import lax
from jax.experimental import pallas as pl
from jax.experimental.pallas import tpu as pltpu
from jax.experimental.pallas import tpu_sc as plsc

N = 10000
E = 320000
D = 128
D_OUT = 64

NC = 2
NS = 16
NW = NC * NS
CH = 80
EPW = 125 * CH
EPAD = NW * EPW + CH
PN = 10240
RP = PN // NS

_sc_mesh = plsc.VectorSubcoreMesh(core_axis_name="c", subcore_axis_name="s")


@functools.partial(
    pl.kernel,
    out_type=jax.ShapeDtypeStruct((NC * PN, D), jnp.float32),
    mesh=_sc_mesh,
    scratch_types=[
        pltpu.VMEM((CH, D), jnp.float32),
        pltpu.VMEM((CH, D), jnp.float32),
        pltpu.VMEM((CH,), jnp.int32),
        pltpu.VMEM((CH,), jnp.int32),
        pltpu.VMEM((1, CH), jnp.int32),
        pltpu.VMEM((1, CH), jnp.int32),
        pltpu.SemaphoreType.DMA,
        pltpu.SemaphoreType.DMA,
        pltpu.SemaphoreType.DMA,
        pltpu.VMEM((16,), jnp.float32),
        pltpu.VMEM_SHARED((PN, D), jnp.float32),
    ],
)
def _sc_prop(t_hbm, src_hbm, dst_hbm, flag_hbm, ones_hbm, out_hbm,
             rows0, rows1, sidx0, sidx1, didx0, didx1,
             gsem, ssem, isem, fbuf, acc):
    c = lax.axis_index("c")
    s = lax.axis_index("s")
    wid = c * NS + s
    ebase = wid * EPW

    pltpu.sync_copy(flag_hbm, fbuf)
    deg_mode = fbuf[...][0] > 0.5

    def e0_of(j):
        return pl.multiple_of(ebase + j * CH, 8)

    def idx_start(j, sb, db):
        pltpu.async_copy(src_hbm.at[pl.ds(e0_of(j), CH)], sb, isem)
        pltpu.async_copy(dst_hbm.at[pl.ds(e0_of(j), CH)], db.at[0], isem)

    def idx_wait(j, sb, db):
        pltpu.make_async_copy(src_hbm.at[pl.ds(e0_of(j), CH)], sb, isem).wait()
        pltpu.make_async_copy(dst_hbm.at[pl.ds(e0_of(j), CH)], db.at[0],
                              isem).wait()

    def gather_start(sb, rw):
        pltpu.async_copy(t_hbm.at[sb], rw, gsem)

    def gather_wait(sb, rw):
        pltpu.make_async_copy(t_hbm.at[sb], rw, gsem).wait()

    def scat_start(rw, db):
        pltpu.async_copy(rw, acc.at[db.at[0]], ssem, add=True)

    def scat_wait(rw, db):
        pltpu.make_async_copy(rw, acc.at[db.at[0]], ssem).wait()

    def initc(j, carry):
        r0 = pl.multiple_of(s * RP + j * CH, 8)
        pltpu.sync_copy(t_hbm.at[pl.ds(r0, CH)], rows0)
        pltpu.sync_copy(rows0, acc.at[pl.ds(r0, CH)])
        return carry

    lax.fori_loop(0, RP // CH, initc, 0)
    plsc.subcore_barrier()

    NPAIR = (EPW // CH - 1) // 2

    @pl.when(jnp.logical_not(deg_mode))
    def _gather_arm():
        idx_start(0, sidx0, didx0)
        idx_wait(0, sidx0, didx0)
        gather_start(sidx0, rows0)
        idx_start(1, sidx1, didx1)

        def pair(k, carry):
            j = k * 2
            gather_wait(sidx0, rows0)
            scat_start(rows0, didx0)
            idx_wait(j + 1, sidx1, didx1)
            gather_start(sidx1, rows1)
            scat_wait(rows0, didx0)
            idx_start(j + 2, sidx0, didx0)
            gather_wait(sidx1, rows1)
            scat_start(rows1, didx1)
            idx_wait(j + 2, sidx0, didx0)
            gather_start(sidx0, rows0)
            scat_wait(rows1, didx1)
            idx_start(j + 3, sidx1, didx1)
            return carry

        lax.fori_loop(0, NPAIR, pair, 0)

        gather_wait(sidx0, rows0)
        scat_start(rows0, didx0)
        idx_wait(2 * NPAIR + 1, sidx1, didx1)
        scat_wait(rows0, didx0)

    @pl.when(deg_mode)
    def _deg_arm():
        pltpu.sync_copy(ones_hbm, rows0)

        def dstart(j, db):
            pltpu.async_copy(dst_hbm.at[pl.ds(e0_of(j), CH)], db.at[0], isem)

        def dwait(j, db):
            pltpu.make_async_copy(dst_hbm.at[pl.ds(e0_of(j), CH)], db.at[0],
                                  isem).wait()

        dstart(0, didx0)
        dstart(1, didx1)

        def dpair(k, carry):
            j = k * 2
            dwait(j, didx0)
            scat_start(rows0, didx0)
            dwait(j + 1, didx1)
            scat_wait(rows0, didx0)
            dstart(j + 2, didx0)
            scat_start(rows0, didx1)
            scat_wait(rows0, didx1)
            dstart(j + 3, didx1)
            return carry

        lax.fori_loop(0, NPAIR, dpair, 0)

        dwait(2 * NPAIR, didx0)
        scat_start(rows0, didx0)
        dwait(2 * NPAIR + 1, didx1)
        scat_wait(rows0, didx0)

    plsc.subcore_barrier()

    def wbc(j, carry):
        r0 = pl.multiple_of(s * RP + j * CH, 8)
        pltpu.sync_copy(acc.at[pl.ds(r0, CH)], rows0)
        pltpu.sync_copy(rows0, out_hbm.at[pl.ds(c * PN + r0, CH)])
        return carry

    lax.fori_loop(0, RP // CH, wbc, 0)


BR = 1000


def _tc0_body(x_ref, w_ref, xw_ref):
    xw_ref[...] = jnp.dot(x_ref[...], w_ref[...],
                          preferred_element_type=jnp.float32)


def _tc_mid_body(p_ref, t_ref, dis_ref, xw_ref, b_ref, fa_ref, fb_ref,
                 o_ref, dout_ref):
    comb = p_ref[0] + p_ref[1] - t_ref[...]
    is_first = fa_ref[...] > 0.0
    relu_on = fb_ref[...] > 0.0
    d = jnp.where(is_first[:, 0:1], lax.rsqrt(comb[:, 0:1]), dis_ref[...])
    zc = d * comb + b_ref[...]
    g = jnp.where(relu_on, jnp.maximum(zc, 0.0), zc)
    o_ref[...] = jnp.where(is_first, d * xw_ref[...],
                           jnp.where(relu_on, d * g, g))
    dout_ref[...] = d


def _tc3_body(hp_ref, wm_ref, bm_ref, wl_ref, bl_ref, mu_ref, lv_ref):
    hp = hp_ref[...]
    mu_ref[...] = jnp.dot(hp, wm_ref[...],
                          preferred_element_type=jnp.float32) + bm_ref[...]
    lv_ref[...] = jnp.dot(hp, wl_ref[...],
                          preferred_element_type=jnp.float32) + bl_ref[...]


def _row_spec(width):
    return pl.BlockSpec((BR, width), lambda i: (i, 0))


_pq_spec = pl.BlockSpec((2, BR, D), lambda i: (0, i, 0))


def _full_spec(shape):
    nd = len(shape)
    return pl.BlockSpec(shape, lambda i: (0,) * nd)


_tc0 = pl.pallas_call(
    _tc0_body,
    grid=(N // BR,),
    in_specs=[_row_spec(D), _full_spec((D, D))],
    out_specs=_row_spec(D),
    out_shape=jax.ShapeDtypeStruct((PN, D), jnp.float32),
)

_tc_mid = pl.pallas_call(
    _tc_mid_body,
    grid=(N // BR,),
    in_specs=[_pq_spec, _row_spec(D), _row_spec(1), _row_spec(D),
              _full_spec((1, D)), _full_spec((1, D)), _full_spec((1, D))],
    out_specs=[_row_spec(D), _row_spec(1)],
    out_shape=[jax.ShapeDtypeStruct((PN, D), jnp.float32),
               jax.ShapeDtypeStruct((PN, 1), jnp.float32)],
)

_tc3 = pl.pallas_call(
    _tc3_body,
    grid=(N // BR,),
    in_specs=[_row_spec(D),
              _full_spec((D, D_OUT)), _full_spec((1, D_OUT)),
              _full_spec((D, D_OUT)), _full_spec((1, D_OUT))],
    out_specs=[_row_spec(D_OUT), _row_spec(D_OUT)],
    out_shape=[jax.ShapeDtypeStruct((N, D_OUT), jnp.float32),
               jax.ShapeDtypeStruct((N, D_OUT), jnp.float32)],
)


@jax.jit
def kernel(x, edge_index, W1, b1, W_mu, b_mu, W_logvar, b_logvar):
    ei = edge_index.astype(jnp.int32)
    npad = EPAD - E
    src = jnp.concatenate([ei[0], jnp.zeros((npad,), jnp.int32)])
    dst = jnp.concatenate([ei[1], jnp.full((npad,), PN - 1, jnp.int32)])

    xw = _tc0(x, W1)

    t0 = jnp.ones((PN, D), jnp.float32)
    dis0 = jnp.ones((PN, 1), jnp.float32)
    zerosD = jnp.zeros((1, D), jnp.float32)
    onesD = jnp.ones((1, D), jnp.float32)

    niter = 3 + lax.optimization_barrier(jnp.int32(0))

    ones_rows = jnp.ones((CH, D), jnp.float32)
    ones16 = jnp.ones((16,), jnp.float32)
    zeros16 = jnp.zeros((16,), jnp.float32)

    def layer(i, carry):
        t, dis = carry
        fa = jnp.where(i == 0, onesD, zerosD)
        fb = jnp.where(i == 1, onesD, zerosD)
        b_i = jnp.where(i == 1, b1.reshape(1, D), zerosD)
        flag_sc = jnp.where(i == 0, ones16, zeros16)
        p = _sc_prop(t, src, dst, flag_sc, ones_rows).reshape(NC, PN, D)
        t2, dis2 = _tc_mid(p, t, dis, xw, b_i, fa, fb)
        return (t2, dis2)

    hp, _ = lax.fori_loop(0, niter, layer, (t0, dis0))

    mu, logvar = _tc3(hp,
                      W_mu, b_mu.reshape(1, D_OUT),
                      W_logvar, b_logvar.reshape(1, D_OUT))
    return (mu, logvar)

# --- scband reference (transcript-rebuilt; emitter-appended) ---
"""Pipeline reference for scband-vgaeencoder-46694884442219 (READ-ONLY COPY).

The authoritative reference and input builder live on the scoring server;
editing this copy changes nothing except your own understanding.
"""

import jax, jax.numpy as jnp
import numpy as np

N_NODES = 10000
N_EDGES = 320000
D_IN = 128
D_OUT = 64
D_HID = 2 * D_OUT


def setup_inputs(seed: int = 0) -> dict:
    key = jax.random.key(seed)
    k_x, k_e, k1, k2, k3 = jax.random.split(key, 5)
    x = jax.random.normal(k_x, (N_NODES, D_IN), dtype=jnp.float32)
    edge_index = jax.random.randint(k_e, (2, N_EDGES), 0, N_NODES, dtype=jnp.int64)
    # GCNConv params (glorot-ish init), bias zeros like PyG default init scheme
    W1 = jax.random.normal(k1, (D_IN, D_HID), dtype=jnp.float32) * (1.0 / np.sqrt(D_IN))
    b1 = jnp.zeros((D_HID,), dtype=jnp.float32)
    W_mu = jax.random.normal(k2, (D_HID, D_OUT), dtype=jnp.float32) * (1.0 / np.sqrt(D_HID))
    b_mu = jnp.zeros((D_OUT,), dtype=jnp.float32)
    W_logvar = jax.random.normal(k3, (D_HID, D_OUT), dtype=jnp.float32) * (1.0 / np.sqrt(D_HID))
    b_logvar = jnp.zeros((D_OUT,), dtype=jnp.float32)
    return {"x": x, "edge_index": edge_index, "W1": W1, "b1": b1,
            "W_mu": W_mu, "b_mu": b_mu, "W_logvar": W_logvar, "b_logvar": b_logvar}


def reference(x, edge_index, W1, b1, W_mu, b_mu, W_logvar, b_logvar):
    N = x.shape[0]
    # GCN normalization with self-loops (cached=True: computed once, reused by all convs)
    loop = jnp.arange(N, dtype=edge_index.dtype)
    src = jnp.concatenate([edge_index[0], loop])
    dst = jnp.concatenate([edge_index[1], loop])
    ew = jnp.ones(src.shape[0], dtype=x.dtype)
    deg = jax.ops.segment_sum(ew, dst, num_segments=N)
    deg_inv_sqrt = jnp.where(deg > 0, deg ** -0.5, 0.0)
    norm = deg_inv_sqrt[src] * deg_inv_sqrt[dst]

    def gcn_conv(h, W, b):
        hw = h @ W
        msg = norm[:, None] * jnp.take(hw, src, axis=0)
        out = jax.ops.segment_sum(msg, dst, num_segments=N)
        return out + b

    h = jax.nn.relu(gcn_conv(x, W1, b1))
    mu = gcn_conv(h, W_mu, b_mu)
    logvar = gcn_conv(h, W_logvar, b_logvar)
    return (mu, logvar)

if __name__ == "__main__":
    import jax
    _d = setup_inputs()
    print(jax.jit(kernel)(*tuple(_d.values())))

</pallas_src>

<mosaic_0001>
#map = affine_map<(d0, d1) -> (0, 0)>
#map1 = affine_map<(d0, d1) -> (0)>
module attributes {stable_mosaic.version = 14 : i64} {
  func.func @_sc_prop(%arg0: i32, %arg1: i32, %arg2: memref<10240x128xf32, #tpu.memory_space<hbm>>, %arg3: memref<320080xi32, #tpu.memory_space<hbm>>, %arg4: memref<320080xi32, #tpu.memory_space<hbm>>, %arg5: memref<16xf32, #tpu.memory_space<hbm>>, %arg6: memref<80x128xf32, #tpu.memory_space<hbm>>, %arg7: memref<20480x128xf32, #tpu.memory_space<hbm>>, %arg8: memref<80x128xf32, #tpu.memory_space<vmem>>, %arg9: memref<80x128xf32, #tpu.memory_space<vmem>>, %arg10: memref<80xi32, #tpu.memory_space<vmem>>, %arg11: memref<80xi32, #tpu.memory_space<vmem>>, %arg12: memref<1x80xi32, #tpu.memory_space<vmem>>, %arg13: memref<1x80xi32, #tpu.memory_space<vmem>>, %arg14: memref<!tpu.dma_semaphore, #tpu.memory_space<semaphore_mem>>, %arg15: memref<!tpu.dma_semaphore, #tpu.memory_space<semaphore_mem>>, %arg16: memref<!tpu.dma_semaphore, #tpu.memory_space<semaphore_mem>>, %arg17: memref<16xf32, #tpu.memory_space<vmem>>, %arg18: memref<10240x128xf32, #tpu.memory_space<vmem_shared>>) attributes {dimension_semantics = [#tpu.dimension_semantics<core_parallel>, #tpu.dimension_semantics<subcore_parallel>], iteration_bounds = array<i64: 2, 16>, scalar_prefetch = 0 : i64, scratch_operands = 11 : i64, tpu.core_type = #tpu.core_type<sc_vector_subcore>, window_params = [{transform_indices = #map}, {transform_indices = #map1}, {transform_indices = #map1}, {transform_indices = #map1}, {transform_indices = #map}, {transform_indices = #map}]} {
    %mul3A = arith.constant 16 : i32
    %mul3A_0 = arith.muli %arg0, %mul3A : i32
    %add3A = arith.addi %mul3A_0, %arg1 : i32
    %mul3A_1 = arith.constant 10000 : i32
    %mul3A_2 = arith.muli %add3A, %mul3A_1 : i32
    "tpu.region"() ({
      %run_scoped3A = tpu.sem_alloc : memref<!tpu.dma_semaphore, #tpu.memory_space<semaphore_mem>>
      tpu.enqueue_dma source(%arg5 : memref<16xf32, #tpu.memory_space<hbm>>) target(%arg17 : memref<16xf32, #tpu.memory_space<vmem>>) target_semaphore(%run_scoped3A : memref<!tpu.dma_semaphore, #tpu.memory_space<semaphore_mem>>)
      tpu.wait_dma2 semaphore(%run_scoped3A : memref<!tpu.dma_semaphore, #tpu.memory_space<semaphore_mem>>) src(%arg5 : memref<16xf32, #tpu.memory_space<hbm>>) dst(%arg17 : memref<16xf32, #tpu.memory_space<vmem>>)
      tpu.yield
    }) : () -> ()
    %get3A = arith.constant 0 : index
    %get3A_3 = tpu.vector_load %arg17[%get3A] {strides = array<i32>} : memref<16xf32, #tpu.memory_space<vmem>>, vector<16xf32>,
    %get3A_4 = vector.shape_cast %get3A_3 : vector<16xf32> to vector<16xf32>
    %slice3A = vector.extract_strided_slice %get3A_4 {offsets = [0], sizes = [1], strides = [1]} : vector<16xf32> to vector<1xf32>
    %squeeze3A = vector.extract %slice3A[0] : f32 from vector<1xf32>
    %gt3A = arith.constant 5.000000e-01 : f32
    %gt3A_5 = arith.cmpf ogt, %squeeze3A, %gt3A : f32
    %scan3A = arith.constant 0 : i32
    %scan3A_6 = arith.constant 0 : i32
    %scan3A_7 = arith.constant 8 : i32
    %scan3A_8 = arith.addi %scan3A_6, %scan3A_7 : i32
    %scan3A_9 = arith.constant 1 : i32
    scf.for %scan3A_23 = %scan3A_6 to %scan3A_8 step %scan3A_9  : i32 {
      %mul3A_24 = arith.constant 640 : i32
      %mul3A_25 = arith.muli %arg1, %mul3A_24 : i32
      %mul3A_26 = arith.constant 80 : i32
      %mul3A_27 = arith.muli %scan3A_23, %mul3A_26 : i32
      %add3A_28 = arith.addi %mul3A_25, %mul3A_27 : i32
      %multiple_of3A = tpu.assume_multiple %add3A_28, 8 : i32
      "tpu.region"() ({
        %run_scoped3A = tpu.sem_alloc : memref<!tpu.dma_semaphore, #tpu.memory_space<semaphore_mem>>
        %dma_start3A = arith.constant 0 : i32
        %dma_start3A_29 = tpu.memref_slice %arg2[%multiple_of3A, %dma_start3A] : memref<10240x128xf32, #tpu.memory_space<hbm>> -> memref<80x128xf32, #tpu.memory_space<hbm>>
        %dma_start3A_30 = arith.constant 0 : i32
        %dma_start3A_31 = tpu.memref_slice %arg2[%multiple_of3A, %dma_start3A_30] : memref<10240x128xf32, #tpu.memory_space<hbm>> -> memref<80x128xf32, #tpu.memory_space<hbm>>
        tpu.enqueue_dma source(%dma_start3A_31 : memref<80x128xf32, #tpu.memory_space<hbm>>) target(%arg8 : memref<80x128xf32, #tpu.memory_space<vmem>>) target_semaphore(%run_scoped3A : memref<!tpu.dma_semaphore, #tpu.memory_space<semaphore_mem>>)
        %dma_wait3A = arith.constant 0 : i32
        %dma_wait3A_32 = tpu.memref_slice %arg2[%multiple_of3A, %dma_wait3A] : memref<10240x128xf32, #tpu.memory_space<hbm>> -> memref<80x128xf32, #tpu.memory_space<hbm>>
        %dma_wait3A_33 = arith.constant 0 : i32
        %dma_wait3A_34 = tpu.memref_slice %arg2[%multiple_of3A, %dma_wait3A_33] : memref<10240x128xf32, #tpu.memory_space<hbm>> -> memref<80x128xf32, #tpu.memory_space<hbm>>
        tpu.wait_dma2 semaphore(%run_scoped3A : memref<!tpu.dma_semaphore, #tpu.memory_space<semaphore_mem>>) src(%dma_wait3A_34 : memref<80x128xf32, #tpu.memory_space<hbm>>) dst(%arg8 : memref<80x128xf32, #tpu.memory_space<vmem>>)
        tpu.yield
      }) : () -> ()
      "tpu.region"() ({
        %run_scoped3A = tpu.sem_alloc : memref<!tpu.dma_semaphore, #tpu.memory_space<semaphore_mem>>
        %dma_start3A = arith.constant 0 : i32
        %dma_start3A_29 = tpu.memref_slice %arg18[%multiple_of3A, %dma_start3A] : memref<10240x128xf32, #tpu.memory_space<vmem_shared>> -> memref<80x128xf32, #tpu.memory_space<vmem_shared>>
        %dma_start3A_30 = arith.constant 0 : i32
        %dma_start3A_31 = tpu.memref_slice %arg18[%multiple_of3A, %dma_start3A_30] : memref<10240x128xf32, #tpu.memory_space<vmem_shared>> -> memref<80x128xf32, #tpu.memory_space<vmem_shared>>
        tpu.enqueue_dma source(%arg8 : memref<80x128xf32, #tpu.memory_space<vmem>>) target(%dma_start3A_31 : memref<80x128xf32, #tpu.memory_space<vmem_shared>>) target_semaphore(%run_scoped3A : memref<!tpu.dma_semaphore, #tpu.memory_space<semaphore_mem>>)
        %dma_wait3A = arith.constant 0 : i32
        %dma_wait3A_32 = tpu.memref_slice %arg18[%multiple_of3A, %dma_wait3A] : memref<10240x128xf32, #tpu.memory_space<vmem_shared>> -> memref<80x128xf32, #tpu.memory_space<vmem_shared>>
        %dma_wait3A_33 = arith.constant 0 : i32
        %dma_wait3A_34 = tpu.memref_slice %arg18[%multiple_of3A, %dma_wait3A_33] : memref<10240x128xf32, #tpu.memory_space<vmem_shared>> -> memref<80x128xf32, #tpu.memory_space<vmem_shared>>
        tpu.wait_dma2 semaphore(%run_scoped3A : memref<!tpu.dma_semaphore, #tpu.memory_space<semaphore_mem>>) src(%arg8 : memref<80x128xf32, #tpu.memory_space<vmem>>) dst(%dma_wait3A_34 : memref<80x128xf32, #tpu.memory_space<vmem_shared>>)
        tpu.yield
      }) : () -> ()
    }
    %scan3A_10 = arith.constant 8 : i32
    %barrier3A = arith.constant 0 : index
    tpu.barrier barrier_id(%barrier3A)
    %not3A = arith.constant true
    %not3A_11 = arith.xori %gt3A_5, %not3A : i1
    %convert_element_type3A = arith.extui %not3A_11 : i1 to i32
    %cond3A = arith.constant 0 : i32
    %cond3A_12 = arith.cmpi ne, %convert_element_type3A, %cond3A : i32
    scf.if %cond3A_12 {
      %add3A_23 = arith.constant 0 : i32
      %add3A_24 = arith.addi %mul3A_2, %add3A_23 : i32
      %multiple_of3A = tpu.assume_multiple %add3A_24, 8 : i32
      %dma_start3A = tpu.memref_slice %arg3[%multiple_of3A] : memref<320080xi32, #tpu.memory_space<hbm>> -> memref<80xi32, #tpu.memory_space<hbm>>
      %dma_start3A_25 = tpu.memref_slice %arg3[%multiple_of3A] : memref<320080xi32, #tpu.memory_space<hbm>> -> memref<80xi32, #tpu.memory_space<hbm>>
      tpu.enqueue_dma source(%dma_start3A_25 : memref<80xi32, #tpu.memory_space<hbm>>) target(%arg10 : memref<80xi32, #tpu.memory_space<vmem>>) target_semaphore(%arg16 : memref<!tpu.dma_semaphore, #tpu.memory_space<semaphore_mem>>)
      %add3A_26 = arith.constant 0 : i32
      %add3A_27 = arith.addi %mul3A_2, %add3A_26 : i32
      %multiple_of3A_28 = tpu.assume_multiple %add3A_27, 8 : i32
      %dma_start3A_29 = arith.constant 0 : i32
      %dma_start3A_30 = arith.constant 0 : i32
      %dma_start3A_31 = tpu.memref_slice %arg12[%dma_start3A_29, %dma_start3A_30] : memref<1x80xi32, #tpu.memory_space<vmem>> -> memref<1x80xi32, #tpu.memory_space<vmem>>
      %dma_start3A_32 = tpu.memref_squeeze %dma_start3A_31 : memref<1x80xi32, #tpu.memory_space<vmem>> -> memref<80xi32, #tpu.memory_space<vmem>>
      %dma_start3A_33 = tpu.memref_slice %arg4[%multiple_of3A_28] : memref<320080xi32, #tpu.memory_space<hbm>> -> memref<80xi32, #tpu.memory_space<hbm>>
      %dma_start3A_34 = arith.constant 0 : i32
      %dma_start3A_35 = tpu.memref_slice %arg12[%dma_start3A_29, %dma_start3A_34] : memref<1x80xi32, #tpu.memory_space<vmem>> -> memref<1x80xi32, #tpu.memory_space<vmem>>
      %dma_start3A_36 = tpu.memref_squeeze %dma_start3A_35 : memref<1x80xi32, #tpu.memory_space<vmem>> -> memref<80xi32, #tpu.memory_space<vmem>>
      %dma_start3A_37 = tpu.memref_slice %arg4[%multiple_of3A_28] : memref<320080xi32, #tpu.memory_space<hbm>> -> memref<80xi32, #tpu.memory_space<hbm>>
      tpu.enqueue_dma source(%dma_start3A_37 : memref<80xi32, #tpu.memory_space<hbm>>) target(%dma_start3A_36 : memref<80xi32, #tpu.memory_space<vmem>>) target_semaphore(%arg16 : memref<!tpu.dma_semaphore, #tpu.memory_space<semaphore_mem>>)
      %add3A_38 = arith.constant 0 : i32
      %add3A_39 = arith.addi %mul3A_2, %add3A_38 : i32
      %multiple_of3A_40 = tpu.assume_multiple %add3A_39, 8 : i32
      %dma_wait3A = tpu.memref_slice %arg3[%multiple_of3A_40] : memref<320080xi32, #tpu.memory_space<hbm>> -> memref<80xi32, #tpu.memory_space<hbm>>
      %dma_wait3A_41 = tpu.memref_slice %arg3[%multiple_of3A_40] : memref<320080xi32, #tpu.memory_space<hbm>> -> memref<80xi32, #tpu.memory_space<hbm>>
      tpu.wait_dma2 semaphore(%arg16 : memref<!tpu.dma_semaphore, #tpu.memory_space<semaphore_mem>>) src(%dma_wait3A_41 : memref<80xi32, #tpu.memory_space<hbm>>) dst(%arg10 : memref<80xi32, #tpu.memory_space<vmem>>)
      %add3A_42 = arith.constant 0 : i32
      %add3A_43 = arith.addi %mul3A_2, %add3A_42 : i32
      %multiple_of3A_44 = tpu.assume_multiple %add3A_43, 8 : i32
      %dma_wait3A_45 = arith.constant 0 : i32
      %dma_wait3A_46 = arith.constant 0 : i32
      %dma_wait3A_47 = tpu.memref_slice %arg12[%dma_wait3A_45, %dma_wait3A_46] : memref<1x80xi32, #tpu.memory_space<vmem>> -> memref<1x80xi32, #tpu.memory_space<vmem>>
      %dma_wait3A_48 = tpu.memref_squeeze %dma_wait3A_47 : memref<1x80xi32, #tpu.memory_space<vmem>> -> memref<80xi32, #tpu.memory_space<vmem>>
      %dma_wait3A_49 = tpu.memref_slice %arg4[%multiple_of3A_44] : memref<320080xi32, #tpu.memory_space<hbm>> -> memref<80xi32, #tpu.memory_space<hbm>>
      %dma_wait3A_50 = arith.constant 0 : i32
      %dma_wait3A_51 = tpu.memref_slice %arg12[%dma_wait3A_45, %dma_wait3A_50] : memref<1x80xi32, #tpu.memory_space<vmem>> -> memref<1x80xi32, #tpu.memory_space<vmem>>
      %dma_wait3A_52 = tpu.memref_squeeze %dma_wait3A_51 : memref<1x80xi32, #tpu.memory_space<vmem>> -> memref<80xi32, #tpu.memory_space<vmem>>
      %dma_wait3A_53 = tpu.memref_slice %arg4[%multiple_of3A_44] : memref<320080xi32, #tpu.memory_space<hbm>> -> memref<80xi32, #tpu.memory_space<hbm>>
      tpu.wait_dma2 semaphore(%arg16 : memref<!tpu.dma_semaphore, #tpu.memory_space<semaphore_mem>>) src(%dma_wait3A_53 : memref<80xi32, #tpu.memory_space<hbm>>) dst(%dma_wait3A_52 : memref<80xi32, #tpu.memory_space<vmem>>)
      %dma_start3A_54 = arith.constant 0 : i32
      %dma_start3A_55 = arith.constant 0 : i32
      %dma_start3A_56 = tpu.memref_slice %arg2[%dma_start3A_54, %dma_start3A_55] : memref<10240x128xf32, #tpu.memory_space<hbm>> -> memref<10240x128xf32, #tpu.memory_space<hbm>>
      tpu.enqueue_indirect_dma source(%dma_start3A_56 : memref<10240x128xf32, #tpu.memory_space<hbm>>) target(%arg8 : memref<80x128xf32, #tpu.memory_space<vmem>>) offsets(%arg10 : memref<80xi32, #tpu.memory_space<vmem>>) semaphore(%arg14 : memref<!tpu.dma_semaphore, #tpu.memory_space<semaphore_mem>>)
      %add3A_57 = arith.constant 80 : i32
      %add3A_58 = arith.addi %mul3A_2, %add3A_57 : i32
      %multiple_of3A_59 = tpu.assume_multiple %add3A_58, 8 : i32
      %dma_start3A_60 = tpu.memref_slice %arg3[%multiple_of3A_59] : memref<320080xi32, #tpu.memory_space<hbm>> -> memref<80xi32, #tpu.memory_space<hbm>>
      %dma_start3A_61 = tpu.memref_slice %arg3[%multiple_of3A_59] : memref<320080xi32, #tpu.memory_space<hbm>> -> memref<80xi32, #tpu.memory_space<hbm>>
      tpu.enqueue_dma source(%dma_start3A_61 : memref<80xi32, #tpu.memory_space<hbm>>) target(%arg11 : memref<80xi32, #tpu.memory_space<vmem>>) target_semaphore(%arg16 : memref<!tpu.dma_semaphore, #tpu.memory_space<semaphore_mem>>)
      %add3A_62 = arith.constant 80 : i32
      %add3A_63 = arith.addi %mul3A_2, %add3A_62 : i32
      %multiple_of3A_64 = tpu.assume_multiple %add3A_63, 8 : i32
      %dma_start3A_65 = arith.constant 0 : i32
      %dma_start3A_66 = arith.constant 0 : i32
      %dma_start3A_67 = tpu.memref_slice %arg13[%dma_start3A_65, %dma_start3A_66] : memref<1x80xi32, #tpu.memory_space<vmem>> -> memref<1x80xi32, #tpu.memory_space<vmem>>
      %dma_start3A_68 = tpu.memref_squeeze %dma_start3A_67 : memref<1x80xi32, #tpu.memory_space<vmem>> -> memref<80xi32, #tpu.memory_space<vmem>>
      %dma_start3A_69 = tpu.memref_slice %arg4[%multiple_of3A_64] : memref<320080xi32, #tpu.memory_space<hbm>> -> memref<80xi32, #tpu.memory_space<hbm>>
      %dma_start3A_70 = arith.constant 0 : i32
      %dma_start3A_71 = tpu.memref_slice %arg13[%dma_start3A_65, %dma_start3A_70] : memref<1x80xi32, #tpu.memory_space<vmem>> -> memref<1x80xi32, #tpu.memory_space<vmem>>
      %dma_start3A_72 = tpu.memref_squeeze %dma_start3A_71 : memref<1x80xi32, #tpu.memory_space<vmem>> -> memref<80xi32, #tpu.memory_space<vmem>>
      %dma_start3A_73 = tpu.memref_slice %arg4[%multiple_of3A_64] : memref<320080xi32, #tpu.memory_space<hbm>> -> memref<80xi32, #tpu.memory_space<hbm>>
      tpu.enqueue_dma source(%dma_start3A_73 : memref<80xi32, #tpu.memory_space<hbm>>) target(%dma_start3A_72 : memref<80xi32, #tpu.memory_space<vmem>>) target_semaphore(%arg16 : memref<!tpu.dma_semaphore, #tpu.memory_space<semaphore_mem>>)
      %scan3A_74 = arith.constant 0 : i32
      %scan3A_75 = arith.constant 0 : i32
      %scan3A_76 = arith.constant 62 : i32
      %scan3A_77 = arith.addi %scan3A_75, %scan3A_76 : i32
      %scan3A_78 = arith.constant 1 : i32
      scf.for %scan3A_114 = %scan3A_75 to %scan3A_77 step %scan3A_78  : i32 {
        %mul3A_115 = arith.constant 2 : i32
        %mul3A_116 = arith.muli %scan3A_114, %mul3A_115 : i32
        %dma_wait3A_117 = arith.constant 0 : i32
        %dma_wait3A_118 = arith.constant 0 : i32
        %dma_wait3A_119 = tpu.memref_slice %arg2[%dma_wait3A_117, %dma_wait3A_118] : memref<10240x128xf32, #tpu.memory_space<hbm>> -> memref<10240x128xf32, #tpu.memory_space<hbm>>
        tpu.wait_indirect_dma semaphore(%arg14 : memref<!tpu.dma_semaphore, #tpu.memory_space<semaphore_mem>>) src(%dma_wait3A_119 : memref<10240x128xf32, #tpu.memory_space<hbm>>) dst(%arg8 : memref<80x128xf32, #tpu.memory_space<vmem>>)
        %dma_start3A_120 = arith.constant 0 : i32
        %dma_start3A_121 = arith.constant 0 : i32
        %dma_start3A_122 = tpu.memref_slice %arg12[%dma_start3A_120, %dma_start3A_121] : memref<1x80xi32, #tpu.memory_space<vmem>> -> memref<1x80xi32, #tpu.memory_space<vmem>>
        %dma_start3A_123 = tpu.memref_squeeze %dma_start3A_122 : memref<1x80xi32, #tpu.memory_space<vmem>> -> memref<80xi32, #tpu.memory_space<vmem>>
        %dma_start3A_124 = arith.constant 0 : i32
        %dma_start3A_125 = arith.constant 0 : i32
        %dma_start3A_126 = tpu.memref_slice %arg18[%dma_start3A_124, %dma_start3A_125] : memref<10240x128xf32, #tpu.memory_space<vmem_shared>> -> memref<10240x128xf32, #tpu.memory_space<vmem_shared>>
        tpu.enqueue_indirect_dma source(%arg8 : memref<80x128xf32, #tpu.memory_space<vmem>>) target(%dma_start3A_126 : memref<10240x128xf32, #tpu.memory_space<vmem_shared>>) offsets(%dma_start3A_123 : memref<80xi32, #tpu.memory_space<vmem>>) semaphore(%arg15 : memref<!tpu.dma_semaphore, #tpu.memory_space<semaphore_mem>>) {add = true}
        %add3A_127 = arith.constant 1 : i32
        %add3A_128 = arith.addi %mul3A_116, %add3A_127 : i32
        %mul3A_129 = arith.constant 80 : i32
        %mul3A_130 = arith.muli %add3A_128, %mul3A_129 : i32
        %add3A_131 = arith.addi %mul3A_2, %mul3A_130 : i32
        %multiple_of3A_132 = tpu.assume_multiple %add3A_131, 8 : i32
        %dma_wait3A_133 = tpu.memref_slice %arg3[%multiple_of3A_132] : memref<320080xi32, #tpu.memory_space<hbm>> -> memref<80xi32, #tpu.memory_space<hbm>>
        %dma_wait3A_134 = tpu.memref_slice %arg3[%multiple_of3A_132] : memref<320080xi32, #tpu.memory_space<hbm>> -> memref<80xi32, #tpu.memory_space<hbm>>
        tpu.wait_dma2 semaphore(%arg16 : memref<!tpu.dma_semaphore, #tpu.memory_space<semaphore_mem>>) src(%dma_wait3A_134 : memref<80xi32, #tpu.memory_space<hbm>>) dst(%arg11 : memref<80xi32, #tpu.memory_space<vmem>>)
        %mul3A_135 = arith.constant 80 : i32
        %mul3A_136 = arith.muli %add3A_128, %mul3A_135 : i32
        %add3A_137 = arith.addi %mul3A_2, %mul3A_136 : i32
        %multiple_of3A_138 = tpu.assume_multiple %add3A_137, 8 : i32
        %dma_wait3A_139 = arith.constant 0 : i32
        %dma_wait3A_140 = arith.constant 0 : i32
        %dma_wait3A_141 = tpu.memref_slice %arg13[%dma_wait3A_139, %dma_wait3A_140] : memref<1x80xi32, #tpu.memory_space<vmem>> -> memref<1x80xi32, #tpu.memory_space<vmem>>
        %dma_wait3A_142 = tpu.memref_squeeze %dma_wait3A_141 : memref<1x80xi32, #tpu.memory_space<vmem>> -> memref<80xi32, #tpu.memory_space<vmem>>
        %dma_wait3A_143 = tpu.memref_slice %arg4[%multiple_of3A_138] : memref<320080xi32, #tpu.memory_space<hbm>> -> memref<80xi32, #tpu.memory_space<hbm>>
        %dma_wait3A_144 = arith.constant 0 : i32
        %dma_wait3A_145 = tpu.memref_slice %arg13[%dma_wait3A_139, %dma_wait3A_144] : memref<1x80xi32, #tpu.memory_space<vmem>> -> memref<1x80xi32, #tpu.memory_space<vmem>>
        %dma_wait3A_146 = tpu.memref_squeeze %dma_wait3A_145 : memref<1x80xi32, #tpu.memory_space<vmem>> -> memref<80xi32, #tpu.memory_space<vmem>>
        %dma_wait3A_147 = tpu.memref_slice %arg4[%multiple_of3A_138] : memref<320080xi32, #tpu.memory_space<hbm>> -> memref<80xi32, #tpu.memory_space<hbm>>
        tpu.wait_dma2 semaphore(%arg16 : memref<!tpu.dma_semaphore, #tpu.memory_space<semaphore_mem>>) src(%dma_wait3A_147 : memref<80xi32, #tpu.memory_space<hbm>>) dst(%dma_wait3A_146 : memref<80xi32, #tpu.memory_space<vmem>>)
        %dma_start3A_148 = arith.constant 0 : i32
        %dma_start3A_149 = arith.constant 0 : i32
        %dma_start3A_150 = tpu.memref_slice %arg2[%dma_start3A_148, %dma_start3A_149] : memref<10240x128xf32, #tpu.memory_space<hbm>> -> memref<10240x128xf32, #tpu.memory_space<hbm>>
        tpu.enqueue_indirect_dma source(%dma_start3A_150 : memref<10240x128xf32, #tpu.memory_space<hbm>>) target(%arg9 : memref<80x128xf32, #tpu.memory_space<vmem>>) offsets(%arg11 : memref<80xi32, #tpu.memory_space<vmem>>) semaphore(%arg14 : memref<!tpu.dma_semaphore, #tpu.memory_space<semaphore_mem>>)
        %dma_wait3A_151 = arith.constant 0 : i32
        %dma_wait3A_152 = arith.constant 0 : i32
        %dma_wait3A_153 = tpu.memref_slice %arg12[%dma_wait3A_151, %dma_wait3A_152] : memref<1x80xi32, #tpu.memory_space<vmem>> -> memref<1x80xi32, #tpu.memory_space<vmem>>
        %dma_wait3A_154 = tpu.memref_squeeze %dma_wait3A_153 : memref<1x80xi32, #tpu.memory_space<vmem>> -> memref<80xi32, #tpu.memory_space<vmem>>
        %dma_wait3A_155 = arith.constant 0 : i32
        %dma_wait3A_156 = arith.constant 0 : i32
        %dma_wait3A_157 = tpu.memref_slice %arg18[%dma_wait3A_155, %dma_wait3A_156] : memref<10240x128xf32, #tpu.memory_space<vmem_shared>> -> memref<10240x128xf32, #tpu.memory_space<vmem_shared>>
        tpu.wait_indirect_dma semaphore(%arg15 : memref<!tpu.dma_semaphore, #tpu.memory_space<semaphore_mem>>) src(%arg8 : memref<80x128xf32, #tpu.memory_space<vmem>>) dst(%dma_wait3A_157 : memref<10240x128xf32, #tpu.memory_space<vmem_shared>>)
        %add3A_158 = arith.constant 2 : i32
        %add3A_159 = arith.addi %mul3A_116, %add3A_158 : i32
        %mul3A_160 = arith.constant 80 : i32
        %mul3A_161 = arith.muli %add3A_159, %mul3A_160 : i32
        %add3A_162 = arith.addi %mul3A_2, %mul3A_161 : i32
        %multiple_of3A_163 = tpu.assume_multiple %add3A_162, 8 : i32
        %dma_start3A_164 = tpu.memref_slice %arg3[%multiple_of3A_163] : memref<320080xi32, #tpu.memory_space<hbm>> -> memref<80xi32, #tpu.memory_space<hbm>>
        %dma_start3A_165 = tpu.memref_slice %arg3[%multiple_of3A_163] : memref<320080xi32, #tpu.memory_space<hbm>> -> memref<80xi32, #tpu.memory_space<hbm>>
        tpu.enqueue_dma source(%dma_start3A_165 : memref<80xi32, #tpu.memory_space<hbm>>) target(%arg10 : memref<80xi32, #tpu.memory_space<vmem>>) target_semaphore(%arg16 : memref<!tpu.dma_semaphore, #tpu.memory_space<semaphore_mem>>)
        %mul3A_166 = arith.constant 80 : i32
        %mul3A_167 = arith.muli %add3A_159, %mul3A_166 : i32
        %add3A_168 = arith.addi %mul3A_2, %mul3A_167 : i32
        %multiple_of3A_169 = tpu.assume_multiple %add3A_168, 8 : i32
        %dma_start3A_170 = arith.constant 0 : i32
        %dma_start3A_171 = arith.constant 0 : i32
        %dma_start3A_172 = tpu.memref_slice %arg12[%dma_start3A_170, %dma_start3A_171] : memref<1x80xi32, #tpu.memory_space<vmem>> -> memref<1x80xi32, #tpu.memory_space<vmem>>
        %dma_start3A_173 = tpu.memref_squeeze %dma_start3A_172 : memref<1x80xi32, #tpu.memory_space<vmem>> -> memref<80xi32, #tpu.memory_space<vmem>>
        %dma_start3A_174 = tpu.memref_slice %arg4[%multiple_of3A_169] : memref<320080xi32, #tpu.memory_space<hbm>> -> memref<80xi32, #tpu.memory_space<hbm>>
        %dma_start3A_175 = arith.constant 0 : i32
        %dma_start3A_176 = tpu.memref_slice %arg12[%dma_start3A_170, %dma_start3A_175] : memref<1x80xi32, #tpu.memory_space<vmem>> -> memref<1x80xi32, #tpu.memory_space<vmem>>
        %dma_start3A_177 = tpu.memref_squeeze %dma_start3A_176 : memref<1x80xi32, #tpu.memory_space<vmem>> -> memref<80xi32, #tpu.memory_space<vmem>>
        %dma_start3A_178 = tpu.memref_slice %arg4[%multiple_of3A_169] : memref<320080xi32, #tpu.memory_space<hbm>> -> memref<80xi32, #tpu.memory_space<hbm>>
        tpu.enqueue_dma source(%dma_start3A_178 : memref<80xi32, #tpu.memory_space<hbm>>) target(%dma_start3A_177 : memref<80xi32, #tpu.memory_space<vmem>>) target_semaphore(%arg16 : memref<!tpu.dma_semaphore, #tpu.memory_space<semaphore_mem>>)
        %dma_wait3A_179 = arith.constant 0 : i32
        %dma_wait3A_180 = arith.constant 0 : i32
        %dma_wait3A_181 = tpu.memref_slice %arg2[%dma_wait3A_179, %dma_wait3A_180] : memref<10240x128xf32, #tpu.memory_space<hbm>> -> memref<10240x128xf32, #tpu.memory_space<hbm>>
        tpu.wait_indirect_dma semaphore(%arg14 : memref<!tpu.dma_semaphore, #tpu.memory_space<semaphore_mem>>) src(%dma_wait3A_181 : memref<10240x128xf32, #tpu.memory_space<hbm>>) dst(%arg9 : memref<80x128xf32, #tpu.memory_space<vmem>>)
        %dma_start3A_182 = arith.constant 0 : i32
        %dma_start3A_183 = arith.constant 0 : i32
        %dma_start3A_184 = tpu.memref_slice %arg13[%dma_start3A_182, %dma_start3A_183] : memref<1x80xi32, #tpu.memory_space<vmem>> -> memref<1x80xi32, #tpu.memory_space<vmem>>
        %dma_start3A_185 = tpu.memref_squeeze %dma_start3A_184 : memref<1x80xi32, #tpu.memory_space<vmem>> -> memref<80xi32, #tpu.memory_space<vmem>>
        %dma_start3A_186 = arith.constant 0 : i32
        %dma_start3A_187 = arith.constant 0 : i32
        %dma_start3A_188 = tpu.memref_slice %arg18[%dma_start3A_186, %dma_start3A_187] : memref<10240x128xf32, #tpu.memory_space<vmem_shared>> -> memref<10240x128xf32, #tpu.memory_space<vmem_shared>>
        tpu.enqueue_indirect_dma source(%arg9 : memref<80x128xf32, #tpu.memory_space<vmem>>) target(%dma_start3A_188 : memref<10240x128xf32, #tpu.memory_space<vmem_shared>>) offsets(%dma_start3A_185 : memref<80xi32, #tpu.memory_space<vmem>>) semaphore(%arg15 : memref<!tpu.dma_semaphore, #tpu.memory_space<semaphore_mem>>) {add = true}
        %add3A_189 = arith.constant 2 : i32
        %add3A_190 = arith.addi %mul3A_116, %add3A_189 : i32
        %mul3A_191 = arith.constant 80 : i32
        %mul3A_192 = arith.muli %add3A_190, %mul3A_191 : i32
        %add3A_193 = arith.addi %mul3A_2, %mul3A_192 : i32
        %multiple_of3A_194 = tpu.assume_multiple %add3A_193, 8 : i32
        %dma_wait3A_195 = tpu.memref_slice %arg3[%multiple_of3A_194] : memref<320080xi32, #tpu.memory_space<hbm>> -> memref<80xi32, #tpu.memory_space<hbm>>
        %dma_wait3A_196 = tpu.memref_slice %arg3[%multiple_of3A_194] : memref<320080xi32, #tpu.memory_space<hbm>> -> memref<80xi32, #tpu.memory_space<hbm>>
        tpu.wait_dma2 semaphore(%arg16 : memref<!tpu.dma_semaphore, #tpu.memory_space<semaphore_mem>>) src(%dma_wait3A_196 : memref<80xi32, #tpu.memory_space<hbm>>) dst(%arg10 : memref<80xi32, #tpu.memory_space<vmem>>)
        %mul3A_197 = arith.constant 80 : i32
        %mul3A_198 = arith.muli %add3A_190, %mul3A_197 : i32
        %add3A_199 = arith.addi %mul3A_2, %mul3A_198 : i32
        %multiple_of3A_200 = tpu.assume_multiple %add3A_199, 8 : i32
        %dma_wait3A_201 = arith.constant 0 : i32
        %dma_wait3A_202 = arith.constant 0 : i32
        %dma_wait3A_203 = tpu.memref_slice %arg12[%dma_wait3A_201, %dma_wait3A_202] : memref<1x80xi32, #tpu.memory_space<vmem>> -> memref<1x80xi32, #tpu.memory_space<vmem>>
        %dma_wait3A_204 = tpu.memref_squeeze %dma_wait3A_203 : memref<1x80xi32, #tpu.memory_space<vmem>> -> memref<80xi32, #tpu.memory_space<vmem>>
        %dma_wait3A_205 = tpu.memref_slice %arg4[%multiple_of3A_200] : memref<320080xi32, #tpu.memory_space<hbm>> -> memref<80xi32, #tpu.memory_space<hbm>>
        %dma_wait3A_206 = arith.constant 0 : i32
        %dma_wait3A_207 = tpu.memref_slice %arg12[%dma_wait3A_201, %dma_wait3A_206] : memref<1x80xi32, #tpu.memory_space<vmem>> -> memref<1x80xi32, #tpu.memory_space<vmem>>
        %dma_wait3A_208 = tpu.memref_squeeze %dma_wait3A_207 : memref<1x80xi32, #tpu.memory_space<vmem>> -> memref<80xi32, #tpu.memory_space<vmem>>
        %dma_wait3A_209 = tpu.memref_slice %arg4[%multiple_of3A_200] : memref<320080xi32, #tpu.memory_space<hbm>> -> memref<80xi32, #tpu.memory_space<hbm>>
        tpu.wait_dma2 semaphore(%arg16 : memref<!tpu.dma_semaphore, #tpu.memory_space<semaphore_mem>>) src(%dma_wait3A_209 : memref<80xi32, #tpu.memory_space<hbm>>) dst(%dma_wait3A_208 : memref<80xi32, #tpu.memory_space<vmem>>)
        %dma_start3A_210 = arith.constant 0 : i32
        %dma_start3A_211 = arith.constant 0 : i32
        %dma_start3A_212 = tpu.memref_slice %arg2[%dma_start3A_210, %dma_start3A_211] : memref<10240x128xf32, #tpu.memory_space<hbm>> -> memref<10240x128xf32, #tpu.memory_space<hbm>>
        tpu.enqueue_indirect_dma source(%dma_start3A_212 : memref<10240x128xf32, #tpu.memory_space<hbm>>) target(%arg8 : memref<80x128xf32, #tpu.memory_space<vmem>>) offsets(%arg10 : memref<80xi32, #tpu.memory_space<vmem>>) semaphore(%arg14 : memref<!tpu.dma_semaphore, #tpu.memory_space<semaphore_mem>>)
        %dma_wait3A_213 = arith.constant 0 : i32
        %dma_wait3A_214 = arith.constant 0 : i32
        %dma_wait3A_215 = tpu.memref_slice %arg13[%dma_wait3A_213, %dma_wait3A_214] : memref<1x80xi32, #tpu.memory_space<vmem>> -> memref<1x80xi32, #tpu.memory_space<vmem>>
        %dma_wait3A_216 = tpu.memref_squeeze %dma_wait3A_215 : memref<1x80xi32, #tpu.memory_space<vmem>> -> memref<80xi32, #tpu.memory_space<vmem>>
        %dma_wait3A_217 = arith.constant 0 : i32
        %dma_wait3A_218 = arith.constant 0 : i32
        %dma_wait3A_219 = tpu.memref_slice %arg18[%dma_wait3A_217, %dma_wait3A_218] : memref<10240x128xf32, #tpu.memory_space<vmem_shared>> -> memref<10240x128xf32, #tpu.memory_space<vmem_shared>>
        tpu.wait_indirect_dma semaphore(%arg15 : memref<!tpu.dma_semaphore, #tpu.memory_space<semaphore_mem>>) src(%arg9 : memref<80x128xf32, #tpu.memory_space<vmem>>) dst(%dma_wait3A_219 : memref<10240x128xf32, #tpu.memory_space<vmem_shared>>)
        %add3A_220 = arith.constant 3 : i32
        %add3A_221 = arith.addi %mul3A_116, %add3A_220 : i32
        %mul3A_222 = arith.constant 80 : i32
        %mul3A_223 = arith.muli %add3A_221, %mul3A_222 : i32
        %add3A_224 = arith.addi %mul3A_2, %mul3A_223 : i32
        %multiple_of3A_225 = tpu.assume_multiple %add3A_224, 8 : i32
        %dma_start3A_226 = tpu.memref_slice %arg3[%multiple_of3A_225] : memref<320080xi32, #tpu.memory_space<hbm>> -> memref<80xi32, #tpu.memory_space<hbm>>
        %dma_start3A_227 = tpu.memref_slice %arg3[%multiple_of3A_225] : memref<320080xi32, #tpu.memory_space<hbm>> -> memref<80xi32, #tpu.memory_space<hbm>>
        tpu.enqueue_dma source(%dma_start3A_227 : memref<80xi32, #tpu.memory_space<hbm>>) target(%arg11 : memref<80xi32, #tpu.memory_space<vmem>>) target_semaphore(%arg16 : memref<!tpu.dma_semaphore, #tpu.memory_space<semaphore_mem>>)
        %mul3A_228 = arith.constant 80 : i32
        %mul3A_229 = arith.muli %add3A_221, %mul3A_228 : i32
        %add3A_230 = arith.addi %mul3A_2, %mul3A_229 : i32
        %multiple_of3A_231 = tpu.assume_multiple %add3A_230, 8 : i32
        %dma_start3A_232 = arith.constant 0 : i32
        %dma_start3A_233 = arith.constant 0 : i32
        %dma_start3A_234 = tpu.memref_slice %arg13[%dma_start3A_232, %dma_start3A_233] : memref<1x80xi32, #tpu.memory_space<vmem>> -> memref<1x80xi32, #tpu.memory_space<vmem>>
        %dma_start3A_235 = tpu.memref_squeeze %dma_start3A_234 : memref<1x80xi32, #tpu.memory_space<vmem>> -> memref<80xi32, #tpu.memory_space<vmem>>
        %dma_start3A_236 = tpu.memref_slice %arg4[%multiple_of3A_231] : memref<320080xi32, #tpu.memory_space<hbm>> -> memref<80xi32, #tpu.memory_space<hbm>>
        %dma_start3A_237 = arith.constant 0 : i32
        %dma_start3A_238 = tpu.memref_slice %arg13[%dma_start3A_232, %dma_start3A_237] : memref<1x80xi32, #tpu.memory_space<vmem>> -> memref<1x80xi32, #tpu.memory_space<vmem>>
        %dma_start3A_239 = tpu.memref_squeeze %dma_start3A_238 : memref<1x80xi32, #tpu.memory_space<vmem>> -> memref<80xi32, #tpu.memory_space<vmem>>
        %dma_start3A_240 = tpu.memref_slice %arg4[%multiple_of3A_231] : memref<320080xi32, #tpu.memory_space<hbm>> -> memref<80xi32, #tpu.memory_space<hbm>>
        tpu.enqueue_dma source(%dma_start3A_240 : memref<80xi32, #tpu.memory_space<hbm>>) target(%dma_start3A_239 : memref<80xi32, #tpu.memory_space<vmem>>) target_semaphore(%arg16 : memref<!tpu.dma_semaphore, #tpu.memory_space<semaphore_mem>>)
      }
      %scan3A_79 = arith.constant 62 : i32
      %dma_wait3A_80 = arith.constant 0 : i32
      %dma_wait3A_81 = arith.constant 0 : i32
      %dma_wait3A_82 = tpu.memref_slice %arg2[%dma_wait3A_80, %dma_wait3A_81] : memref<10240x128xf32, #tpu.memory_space<hbm>> -> memref<10240x128xf32, #tpu.memory_space<hbm>>
      tpu.wait_indirect_dma semaphore(%arg14 : memref<!tpu.dma_semaphore, #tpu.memory_space<semaphore_mem>>) src(%dma_wait3A_82 : memref<10240x128xf32, #tpu.memory_space<hbm>>) dst(%arg8 : memref<80x128xf32, #tpu.memory_space<vmem>>)
      %dma_start3A_83 = arith.constant 0 : i32
      %dma_start3A_84 = arith.constant 0 : i32
      %dma_start3A_85 = tpu.memref_slice %arg12[%dma_start3A_83, %dma_start3A_84] : memref<1x80xi32, #tpu.memory_space<vmem>> -> memref<1x80xi32, #tpu.memory_space<vmem>>
      %dma_start3A_86 = tpu.memref_squeeze %dma_start3A_85 : memref<1x80xi32, #tpu.memory_space<vmem>> -> memref<80xi32, #tpu.memory_space<vmem>>
      %dma_start3A_87 = arith.constant 0 : i32
      %dma_start3A_88 = arith.constant 0 : i32
      %dma_start3A_89 = tpu.memref_slice %arg18[%dma_start3A_87, %dma_start3A_88] : memref<10240x128xf32, #tpu.memory_space<vmem_shared>> -> memref<10240x128xf32, #tpu.memory_space<vmem_shared>>
      tpu.enqueue_indirect_dma source(%arg8 : memref<80x128xf32, #tpu.memory_space<vmem>>) target(%dma_start3A_89 : memref<10240x128xf32, #tpu.memory_space<vmem_shared>>) offsets(%dma_start3A_86 : memref<80xi32, #tpu.memory_space<vmem>>) semaphore(%arg15 : memref<!tpu.dma_semaphore, #tpu.memory_space<semaphore_mem>>) {add = true}
      %add3A_90 = arith.constant 10000 : i32
      %add3A_91 = arith.addi %mul3A_2, %add3A_90 : i32
      %multiple_of3A_92 = tpu.assume_multiple %add3A_91, 8 : i32
      %dma_wait3A_93 = tpu.memref_slice %arg3[%multiple_of3A_92] : memref<320080xi32, #tpu.memory_space<hbm>> -> memref<80xi32, #tpu.memory_space<hbm>>
      %dma_wait3A_94 = tpu.memref_slice %arg3[%multiple_of3A_92] : memref<320080xi32, #tpu.memory_space<hbm>> -> memref<80xi32, #tpu.memory_space<hbm>>
      tpu.wait_dma2 semaphore(%arg16 : memref<!tpu.dma_semaphore, #tpu.memory_space<semaphore_mem>>) src(%dma_wait3A_94 : memref<80xi32, #tpu.memory_space<hbm>>) dst(%arg11 : memref<80xi32, #tpu.memory_space<vmem>>)
      %add3A_95 = arith.constant 10000 : i32
      %add3A_96 = arith.addi %mul3A_2, %add3A_95 : i32
      %multiple_of3A_97 = tpu.assume_multiple %add3A_96, 8 : i32
      %dma_wait3A_98 = arith.constant 0 : i32
      %dma_wait3A_99 = arith.constant 0 : i32
      %dma_wait3A_100 = tpu.memref_slice %arg13[%dma_wait3A_98, %dma_wait3A_99] : memref<1x80xi32, #tpu.memory_space<vmem>> -> memref<1x80xi32, #tpu.memory_space<vmem>>
      %dma_wait3A_101 = tpu.memref_squeeze %dma_wait3A_100 : memref<1x80xi32, #tpu.memory_space<vmem>> -> memref<80xi32, #tpu.memory_space<vmem>>
      %dma_wait3A_102 = tpu.memref_slice %arg4[%multiple_of3A_97] : memref<320080xi32, #tpu.memory_space<hbm>> -> memref<80xi32, #tpu.memory_space<hbm>>
      %dma_wait3A_103 = arith.constant 0 : i32
      %dma_wait3A_104 = tpu.memref_slice %arg13[%dma_wait3A_98, %dma_wait3A_103] : memref<1x80xi32, #tpu.memory_space<vmem>> -> memref<1x80xi32, #tpu.memory_space<vmem>>
      %dma_wait3A_105 = tpu.memref_squeeze %dma_wait3A_104 : memref<1x80xi32, #tpu.memory_space<vmem>> -> memref<80xi32, #tpu.memory_space<vmem>>
      %dma_wait3A_106 = tpu.memref_slice %arg4[%multiple_of3A_97] : memref<320080xi32, #tpu.memory_space<hbm>> -> memref<80xi32, #tpu.memory_space<hbm>>
      tpu.wait_dma2 semaphore(%arg16 : memref<!tpu.dma_semaphore, #tpu.memory_space<semaphore_mem>>) src(%dma_wait3A_106 : memref<80xi32, #tpu.memory_space<hbm>>) dst(%dma_wait3A_105 : memref<80xi32, #tpu.memory_space<vmem>>)
      %dma_wait3A_107 = arith.constant 0 : i32
      %dma_wait3A_108 = arith.constant 0 : i32
      %dma_wait3A_109 = tpu.memref_slice %arg12[%dma_wait3A_107, %dma_wait3A_108] : memref<1x80xi32, #tpu.memory_space<vmem>> -> memref<1x80xi32, #tpu.memory_space<vmem>>
      %dma_wait3A_110 = tpu.memref_squeeze %dma_wait3A_109 : memref<1x80xi32, #tpu.memory_space<vmem>> -> memref<80xi32, #tpu.memory_space<vmem>>
      %dma_wait3A_111 = arith.constant 0 : i32
      %dma_wait3A_112 = arith.constant 0 : i32
      %dma_wait3A_113 = tpu.memref_slice %arg18[%dma_wait3A_111, %dma_wait3A_112] : memref<10240x128xf32, #tpu.memory_space<vmem_shared>> -> memref<10240x128xf32, #tpu.memory_space<vmem_shared>>
      tpu.wait_indirect_dma semaphore(%arg15 : memref<!tpu.dma_semaphore, #tpu.memory_space<semaphore_mem>>) src(%arg8 : memref<80x128xf32, #tpu.memory_space<vmem>>) dst(%dma_wait3A_113 : memref<10240x128xf32, #tpu.memory_space<vmem_shared>>)
    } else {
    }
    %convert_element_type3A_13 = arith.extui %gt3A_5 : i1 to i32
    %cond3A_14 = arith.constant 0 : i32
    %cond3A_15 = arith.cmpi ne, %convert_element_type3A_13, %cond3A_14 : i32
    scf.if %cond3A_15 {
      "tpu.region"() ({
        %run_scoped3A = tpu.sem_alloc : memref<!tpu.dma_semaphore, #tpu.memory_space<semaphore_mem>>
        tpu.enqueue_dma source(%arg6 : memref<80x128xf32, #tpu.memory_space<hbm>>) target(%arg8 : memref<80x128xf32, #tpu.memory_space<vmem>>) target_semaphore(%run_scoped3A : memref<!tpu.dma_semaphore, #tpu.memory_space<semaphore_mem>>)
        tpu.wait_dma2 semaphore(%run_scoped3A : memref<!tpu.dma_semaphore, #tpu.memory_space<semaphore_mem>>) src(%arg6 : memref<80x128xf32, #tpu.memory_space<hbm>>) dst(%arg8 : memref<80x128xf32, #tpu.memory_space<vmem>>)
        tpu.yield
      }) : () -> ()
      %add3A_23 = arith.constant 0 : i32
      %add3A_24 = arith.addi %mul3A_2, %add3A_23 : i32
      %multiple_of3A = tpu.assume_multiple %add3A_24, 8 : i32
      %dma_start3A = arith.constant 0 : i32
      %dma_start3A_25 = arith.constant 0 : i32
      %dma_start3A_26 = tpu.memref_slice %arg12[%dma_start3A, %dma_start3A_25] : memref<1x80xi32, #tpu.memory_space<vmem>> -> memref<1x80xi32, #tpu.memory_space<vmem>>
      %dma_start3A_27 = tpu.memref_squeeze %dma_start3A_26 : memref<1x80xi32, #tpu.memory_space<vmem>> -> memref<80xi32, #tpu.memory_space<vmem>>
      %dma_start3A_28 = tpu.memref_slice %arg4[%multiple_of3A] : memref<320080xi32, #tpu.memory_space<hbm>> -> memref<80xi32, #tpu.memory_space<hbm>>
      %dma_start3A_29 = arith.constant 0 : i32
      %dma_start3A_30 = tpu.memref_slice %arg12[%dma_start3A, %dma_start3A_29] : memref<1x80xi32, #tpu.memory_space<vmem>> -> memref<1x80xi32, #tpu.memory_space<vmem>>
      %dma_start3A_31 = tpu.memref_squeeze %dma_start3A_30 : memref<1x80xi32, #tpu.memory_space<vmem>> -> memref<80xi32, #tpu.memory_space<vmem>>
      %dma_start3A_32 = tpu.memref_slice %arg4[%multiple_of3A] : memref<320080xi32, #tpu.memory_space<hbm>> -> memref<80xi32, #tpu.memory_space<hbm>>
      tpu.enqueue_dma source(%dma_start3A_32 : memref<80xi32, #tpu.memory_space<hbm>>) target(%dma_start3A_31 : memref<80xi32, #tpu.memory_space<vmem>>) target_semaphore(%arg16 : memref<!tpu.dma_semaphore, #tpu.memory_space<semaphore_mem>>)
      %add3A_33 = arith.constant 80 : i32
      %add3A_34 = arith.addi %mul3A_2, %add3A_33 : i32
      %multiple_of3A_35 = tpu.assume_multiple %add3A_34, 8 : i32
      %dma_start3A_36 = arith.constant 0 : i32
      %dma_start3A_37 = arith.constant 0 : i32
      %dma_start3A_38 = tpu.memref_slice %arg13[%dma_start3A_36, %dma_start3A_37] : memref<1x80xi32, #tpu.memory_space<vmem>> -> memref<1x80xi32, #tpu.memory_space<vmem>>
      %dma_start3A_39 = tpu.memref_squeeze %dma_start3A_38 : memref<1x80xi32, #tpu.memory_space<vmem>> -> memref<80xi32, #tpu.memory_space<vmem>>
      %dma_start3A_40 = tpu.memref_slice %arg4[%multiple_of3A_35] : memref<320080xi32, #tpu.memory_space<hbm>> -> memref<80xi32, #tpu.memory_space<hbm>>
      %dma_start3A_41 = arith.constant 0 : i32
      %dma_start3A_42 = tpu.memref_slice %arg13[%dma_start3A_36, %dma_start3A_41] : memref<1x80xi32, #tpu.memory_space<vmem>> -> memref<1x80xi32, #tpu.memory_space<vmem>>
      %dma_start3A_43 = tpu.memref_squeeze %dma_start3A_42 : memref<1x80xi32, #tpu.memory_space<vmem>> -> memref<80xi32, #tpu.memory_space<vmem>>
      %dma_start3A_44 = tpu.memref_slice %arg4[%multiple_of3A_35] : memref<320080xi32, #tpu.memory_space<hbm>> -> memref<80xi32, #tpu.memory_space<hbm>>
      tpu.enqueue_dma source(%dma_start3A_44 : memref<80xi32, #tpu.memory_space<hbm>>) target(%dma_start3A_43 : memref<80xi32, #tpu.memory_space<vmem>>) target_semaphore(%arg16 : memref<!tpu.dma_semaphore, #tpu.memory_space<semaphore_mem>>)
      %scan3A_45 = arith.constant 0 : i32
      %scan3A_46 = arith.constant 0 : i32
      %scan3A_47 = arith.constant 62 : i32
      %scan3A_48 = arith.addi %scan3A_46, %scan3A_47 : i32
      %scan3A_49 = arith.constant 1 : i32
      scf.for %scan3A_88 = %scan3A_46 to %scan3A_48 step %scan3A_49  : i32 {
        %mul3A_89 = arith.constant 2 : i32
        %mul3A_90 = arith.muli %scan3A_88, %mul3A_89 : i32
        %mul3A_91 = arith.constant 80 : i32
        %mul3A_92 = arith.muli %mul3A_90, %mul3A_91 : i32
        %add3A_93 = arith.addi %mul3A_2, %mul3A_92 : i32
        %multiple_of3A_94 = tpu.assume_multiple %add3A_93, 8 : i32
        %dma_wait3A_95 = arith.constant 0 : i32
        %dma_wait3A_96 = arith.constant 0 : i32
        %dma_wait3A_97 = tpu.memref_slice %arg12[%dma_wait3A_95, %dma_wait3A_96] : memref<1x80xi32, #tpu.memory_space<vmem>> -> memref<1x80xi32, #tpu.memory_space<vmem>>
        %dma_wait3A_98 = tpu.memref_squeeze %dma_wait3A_97 : memref<1x80xi32, #tpu.memory_space<vmem>> -> memref<80xi32, #tpu.memory_space<vmem>>
        %dma_wait3A_99 = tpu.memref_slice %arg4[%multiple_of3A_94] : memref<320080xi32, #tpu.memory_space<hbm>> -> memref<80xi32, #tpu.memory_space<hbm>>
        %dma_wait3A_100 = arith.constant 0 : i32
        %dma_wait3A_101 = tpu.memref_slice %arg12[%dma_wait3A_95, %dma_wait3A_100] : memref<1x80xi32, #tpu.memory_space<vmem>> -> memref<1x80xi32, #tpu.memory_space<vmem>>
        %dma_wait3A_102 = tpu.memref_squeeze %dma_wait3A_101 : memref<1x80xi32, #tpu.memory_space<vmem>> -> memref<80xi32, #tpu.memory_space<vmem>>
        %dma_wait3A_103 = tpu.memref_slice %arg4[%multiple_of3A_94] : memref<320080xi32, #tpu.memory_space<hbm>> -> memref<80xi32, #tpu.memory_space<hbm>>
        tpu.wait_dma2 semaphore(%arg16 : memref<!tpu.dma_semaphore, #tpu.memory_space<semaphore_mem>>) src(%dma_wait3A_103 : memref<80xi32, #tpu.memory_space<hbm>>) dst(%dma_wait3A_102 : memref<80xi32, #tpu.memory_space<vmem>>)
        %dma_start3A_104 = arith.constant 0 : i32
        %dma_start3A_105 = arith.constant 0 : i32
        %dma_start3A_106 = tpu.memref_slice %arg12[%dma_start3A_104, %dma_start3A_105] : memref<1x80xi32, #tpu.memory_space<vmem>> -> memref<1x80xi32, #tpu.memory_space<vmem>>
        %dma_start3A_107 = tpu.memref_squeeze %dma_start3A_106 : memref<1x80xi32, #tpu.memory_space<vmem>> -> memref<80xi32, #tpu.memory_space<vmem>>
        %dma_start3A_108 = arith.constant 0 : i32
        %dma_start3A_109 = arith.constant 0 : i32
        %dma_start3A_110 = tpu.memref_slice %arg18[%dma_start3A_108, %dma_start3A_109] : memref<10240x128xf32, #tpu.memory_space<vmem_shared>> -> memref<10240x128xf32, #tpu.memory_space<vmem_shared>>
        tpu.enqueue_indirect_dma source(%arg8 : memref<80x128xf32, #tpu.memory_space<vmem>>) target(%dma_start3A_110 : memref<10240x128xf32, #tpu.memory_space<vmem_shared>>) offsets(%dma_start3A_107 : memref<80xi32, #tpu.memory_space<vmem>>) semaphore(%arg15 : memref<!tpu.dma_semaphore, #tpu.memory_space<semaphore_mem>>) {add = true}
        %add3A_111 = arith.constant 1 : i32
        %add3A_112 = arith.addi %mul3A_90, %add3A_111 : i32
        %mul3A_113 = arith.constant 80 : i32
        %mul3A_114 = arith.muli %add3A_112, %mul3A_113 : i32
        %add3A_115 = arith.addi %mul3A_2, %mul3A_114 : i32
        %multiple_of3A_116 = tpu.assume_multiple %add3A_115, 8 : i32
        %dma_wait3A_117 = arith.constant 0 : i32
        %dma_wait3A_118 = arith.constant 0 : i32
        %dma_wait3A_119 = tpu.memref_slice %arg13[%dma_wait3A_117, %dma_wait3A_118] : memref<1x80xi32, #tpu.memory_space<vmem>> -> memref<1x80xi32, #tpu.memory_space<vmem>>
        %dma_wait3A_120 = tpu.memref_squeeze %dma_wait3A_119 : memref<1x80xi32, #tpu.memory_space<vmem>> -> memref<80xi32, #tpu.memory_space<vmem>>
        %dma_wait3A_121 = tpu.memref_slice %arg4[%multiple_of3A_116] : memref<320080xi32, #tpu.memory_space<hbm>> -> memref<80xi32, #tpu.memory_space<hbm>>
        %dma_wait3A_122 = arith.constant 0 : i32
        %dma_wait3A_123 = tpu.memref_slice %arg13[%dma_wait3A_117, %dma_wait3A_122] : memref<1x80xi32, #tpu.memory_space<vmem>> -> memref<1x80xi32, #tpu.memory_space<vmem>>
        %dma_wait3A_124 = tpu.memref_squeeze %dma_wait3A_123 : memref<1x80xi32, #tpu.memory_space<vmem>> -> memref<80xi32, #tpu.memory_space<vmem>>
        %dma_wait3A_125 = tpu.memref_slice %arg4[%multiple_of3A_116] : memref<320080xi32, #tpu.memory_space<hbm>> -> memref<80xi32, #tpu.memory_space<hbm>>
        tpu.wait_dma2 semaphore(%arg16 : memref<!tpu.dma_semaphore, #tpu.memory_space<semaphore_mem>>) src(%dma_wait3A_125 : memref<80xi32, #tpu.memory_space<hbm>>) dst(%dma_wait3A_124 : memref<80xi32, #tpu.memory_space<vmem>>)
        %dma_wait3A_126 = arith.constant 0 : i32
        %dma_wait3A_127 = arith.constant 0 : i32
        %dma_wait3A_128 = tpu.memref_slice %arg12[%dma_wait3A_126, %dma_wait3A_127] : memref<1x80xi32, #tpu.memory_space<vmem>> -> memref<1x80xi32, #tpu.memory_space<vmem>>
        %dma_wait3A_129 = tpu.memref_squeeze %dma_wait3A_128 : memref<1x80xi32, #tpu.memory_space<vmem>> -> memref<80xi32, #tpu.memory_space<vmem>>
        %dma_wait3A_130 = arith.constant 0 : i32
        %dma_wait3A_131 = arith.constant 0 : i32
        %dma_wait3A_132 = tpu.memref_slice %arg18[%dma_wait3A_130, %dma_wait3A_131] : memref<10240x128xf32, #tpu.memory_space<vmem_shared>> -> memref<10240x128xf32, #tpu.memory_space<vmem_shared>>
        tpu.wait_indirect_dma semaphore(%arg15 : memref<!tpu.dma_semaphore, #tpu.memory_space<semaphore_mem>>) src(%arg8 : memref<80x128xf32, #tpu.memory_space<vmem>>) dst(%dma_wait3A_132 : memref<10240x128xf32, #tpu.memory_space<vmem_shared>>)
        %add3A_133 = arith.constant 2 : i32
        %add3A_134 = arith.addi %mul3A_90, %add3A_133 : i32
        %mul3A_135 = arith.constant 80 : i32
        %mul3A_136 = arith.muli %add3A_134, %mul3A_135 : i32
        %add3A_137 = arith.addi %mul3A_2, %mul3A_136 : i32
        %multiple_of3A_138 = tpu.assume_multiple %add3A_137, 8 : i32
        %dma_start3A_139 = arith.constant 0 : i32
        %dma_start3A_140 = arith.constant 0 : i32
        %dma_start3A_141 = tpu.memref_slice %arg12[%dma_start3A_139, %dma_start3A_140] : memref<1x80xi32, #tpu.memory_space<vmem>> -> memref<1x80xi32, #tpu.memory_space<vmem>>
        %dma_start3A_142 = tpu.memref_squeeze %dma_start3A_141 : memref<1x80xi32, #tpu.memory_space<vmem>> -> memref<80xi32, #tpu.memory_space<vmem>>
        %dma_start3A_143 = tpu.memref_slice %arg4[%multiple_of3A_138] : memref<320080xi32, #tpu.memory_space<hbm>> -> memref<80xi32, #tpu.memory_space<hbm>>
        %dma_start3A_144 = arith.constant 0 : i32
        %dma_start3A_145 = tpu.memref_slice %arg12[%dma_start3A_139, %dma_start3A_144] : memref<1x80xi32, #tpu.memory_space<vmem>> -> memref<1x80xi32, #tpu.memory_space<vmem>>
        %dma_start3A_146 = tpu.memref_squeeze %dma_start3A_145 : memref<1x80xi32, #tpu.memory_space<vmem>> -> memref<80xi32, #tpu.memory_space<vmem>>
        %dma_start3A_147 = tpu.memref_slice %arg4[%multiple_of3A_138] : memref<320080xi32, #tpu.memory_space<hbm>> -> memref<80xi32, #tpu.memory_space<hbm>>
        tpu.enqueue_dma source(%dma_start3A_147 : memref<80xi32, #tpu.memory_space<hbm>>) target(%dma_start3A_146 : memref<80xi32, #tpu.memory_space<vmem>>) target_semaphore(%arg16 : memref<!tpu.dma_semaphore, #tpu.memory_space<semaphore_mem>>)
        %dma_start3A_148 = arith.constant 0 : i32
        %dma_start3A_149 = arith.constant 0 : i32
        %dma_start3A_150 = tpu.memref_slice %arg13[%dma_start3A_148, %dma_start3A_149] : memref<1x80xi32, #tpu.memory_space<vmem>> -> memref<1x80xi32, #tpu.memory_space<vmem>>
        %dma_start3A_151 = tpu.memref_squeeze %dma_start3A_150 : memref<1x80xi32, #tpu.memory_space<vmem>> -> memref<80xi32, #tpu.memory_space<vmem>>
        %dma_start3A_152 = arith.constant 0 : i32
        %dma_start3A_153 = arith.constant 0 : i32
        %dma_start3A_154 = tpu.memref_slice %arg18[%dma_start3A_152, %dma_start3A_153] : memref<10240x128xf32, #tpu.memory_space<vmem_shared>> -> memref<10240x128xf32, #tpu.memory_space<vmem_shared>>
        tpu.enqueue_indirect_dma source(%arg8 : memref<80x128xf32, #tpu.memory_space<vmem>>) target(%dma_start3A_154 : memref<10240x128xf32, #tpu.memory_space<vmem_shared>>) offsets(%dma_start3A_151 : memref<80xi32, #tpu.memory_space<vmem>>) semaphore(%arg15 : memref<!tpu.dma_semaphore, #tpu.memory_space<semaphore_mem>>) {add = true}
        %dma_wait3A_155 = arith.constant 0 : i32
        %dma_wait3A_156 = arith.constant 0 : i32
        %dma_wait3A_157 = tpu.memref_slice %arg13[%dma_wait3A_155, %dma_wait3A_156] : memref<1x80xi32, #tpu.memory_space<vmem>> -> memref<1x80xi32, #tpu.memory_space<vmem>>
        %dma_wait3A_158 = tpu.memref_squeeze %dma_wait3A_157 : memref<1x80xi32, #tpu.memory_space<vmem>> -> memref<80xi32, #tpu.memory_space<vmem>>
        %dma_wait3A_159 = arith.constant 0 : i32
        %dma_wait3A_160 = arith.constant 0 : i32
        %dma_wait3A_161 = tpu.memref_slice %arg18[%dma_wait3A_159, %dma_wait3A_160] : memref<10240x128xf32, #tpu.memory_space<vmem_shared>> -> memref<10240x128xf32, #tpu.memory_space<vmem_shared>>
        tpu.wait_indirect_dma semaphore(%arg15 : memref<!tpu.dma_semaphore, #tpu.memory_space<semaphore_mem>>) src(%arg8 : memref<80x128xf32, #tpu.memory_space<vmem>>) dst(%dma_wait3A_161 : memref<10240x128xf32, #tpu.memory_space<vmem_shared>>)
        %add3A_162 = arith.constant 3 : i32
        %add3A_163 = arith.addi %mul3A_90, %add3A_162 : i32
        %mul3A_164 = arith.constant 80 : i32
        %mul3A_165 = arith.muli %add3A_163, %mul3A_164 : i32
        %add3A_166 = arith.addi %mul3A_2, %mul3A_165 : i32
        %multiple_of3A_167 = tpu.assume_multiple %add3A_166, 8 : i32
        %dma_start3A_168 = arith.constant 0 : i32
        %dma_start3A_169 = arith.constant 0 : i32
        %dma_start3A_170 = tpu.memref_slice %arg13[%dma_start3A_168, %dma_start3A_169] : memref<1x80xi32, #tpu.memory_space<vmem>> -> memref<1x80xi32, #tpu.memory_space<vmem>>
        %dma_start3A_171 = tpu.memref_squeeze %dma_start3A_170 : memref<1x80xi32, #tpu.memory_space<vmem>> -> memref<80xi32, #tpu.memory_space<vmem>>
        %dma_start3A_172 = tpu.memref_slice %arg4[%multiple_of3A_167] : memref<320080xi32, #tpu.memory_space<hbm>> -> memref<80xi32, #tpu.memory_space<hbm>>
        %dma_start3A_173 = arith.constant 0 : i32
        %dma_start3A_174 = tpu.memref_slice %arg13[%dma_start3A_168, %dma_start3A_173] : memref<1x80xi32, #tpu.memory_space<vmem>> -> memref<1x80xi32, #tpu.memory_space<vmem>>
        %dma_start3A_175 = tpu.memref_squeeze %dma_start3A_174 : memref<1x80xi32, #tpu.memory_space<vmem>> -> memref<80xi32, #tpu.memory_space<vmem>>
        %dma_start3A_176 = tpu.memref_slice %arg4[%multiple_of3A_167] : memref<320080xi32, #tpu.memory_space<hbm>> -> memref<80xi32, #tpu.memory_space<hbm>>
        tpu.enqueue_dma source(%dma_start3A_176 : memref<80xi32, #tpu.memory_space<hbm>>) target(%dma_start3A_175 : memref<80xi32, #tpu.memory_space<vmem>>) target_semaphore(%arg16 : memref<!tpu.dma_semaphore, #tpu.memory_space<semaphore_mem>>)
      }
      %scan3A_50 = arith.constant 62 : i32
      %add3A_51 = arith.constant 9920 : i32
      %add3A_52 = arith.addi %mul3A_2, %add3A_51 : i32
      %multiple_of3A_53 = tpu.assume_multiple %add3A_52, 8 : i32
      %dma_wait3A = arith.constant 0 : i32
      %dma_wait3A_54 = arith.constant 0 : i32
      %dma_wait3A_55 = tpu.memref_slice %arg12[%dma_wait3A, %dma_wait3A_54] : memref<1x80xi32, #tpu.memory_space<vmem>> -> memref<1x80xi32, #tpu.memory_space<vmem>>
      %dma_wait3A_56 = tpu.memref_squeeze %dma_wait3A_55 : memref<1x80xi32, #tpu.memory_space<vmem>> -> memref<80xi32, #tpu.memory_space<vmem>>
      %dma_wait3A_57 = tpu.memref_slice %arg4[%multiple_of3A_53] : memref<320080xi32, #tpu.memory_space<hbm>> -> memref<80xi32, #tpu.memory_space<hbm>>
      %dma_wait3A_58 = arith.constant 0 : i32
      %dma_wait3A_59 = tpu.memref_slice %arg12[%dma_wait3A, %dma_wait3A_58] : memref<1x80xi32, #tpu.memory_space<vmem>> -> memref<1x80xi32, #tpu.memory_space<vmem>>
      %dma_wait3A_60 = tpu.memref_squeeze %dma_wait3A_59 : memref<1x80xi32, #tpu.memory_space<vmem>> -> memref<80xi32, #tpu.memory_space<vmem>>
      %dma_wait3A_61 = tpu.memref_slice %arg4[%multiple_of3A_53] : memref<320080xi32, #tpu.memory_space<hbm>> -> memref<80xi32, #tpu.memory_space<hbm>>
      tpu.wait_dma2 semaphore(%arg16 : memref<!tpu.dma_semaphore, #tpu.memory_space<semaphore_mem>>) src(%dma_wait3A_61 : memref<80xi32, #tpu.memory_space<hbm>>) dst(%dma_wait3A_60 : memref<80xi32, #tpu.memory_space<vmem>>)
      %dma_start3A_62 = arith.constant 0 : i32
      %dma_start3A_63 = arith.constant 0 : i32
      %dma_start3A_64 = tpu.memref_slice %arg12[%dma_start3A_62, %dma_start3A_63] : memref<1x80xi32, #tpu.memory_space<vmem>> -> memref<1x80xi32, #tpu.memory_space<vmem>>
      %dma_start3A_65 = tpu.memref_squeeze %dma_start3A_64 : memref<1x80xi32, #tpu.memory_space<vmem>> -> memref<80xi32, #tpu.memory_space<vmem>>
      %dma_start3A_66 = arith.constant 0 : i32
      %dma_start3A_67 = arith.constant 0 : i32
      %dma_start3A_68 = tpu.memref_slice %arg18[%dma_start3A_66, %dma_start3A_67] : memref<10240x128xf32, #tpu.memory_space<vmem_shared>> -> memref<10240x128xf32, #tpu.memory_space<vmem_shared>>
      tpu.enqueue_indirect_dma source(%arg8 : memref<80x128xf32, #tpu.memory_space<vmem>>) target(%dma_start3A_68 : memref<10240x128xf32, #tpu.memory_space<vmem_shared>>) offsets(%dma_start3A_65 : memref<80xi32, #tpu.memory_space<vmem>>) semaphore(%arg15 : memref<!tpu.dma_semaphore, #tpu.memory_space<semaphore_mem>>) {add = true}
      %add3A_69 = arith.constant 10000 : i32
      %add3A_70 = arith.addi %mul3A_2, %add3A_69 : i32
      %multiple_of3A_71 = tpu.assume_multiple %add3A_70, 8 : i32
      %dma_wait3A_72 = arith.constant 0 : i32
      %dma_wait3A_73 = arith.constant 0 : i32
      %dma_wait3A_74 = tpu.memref_slice %arg13[%dma_wait3A_72, %dma_wait3A_73] : memref<1x80xi32, #tpu.memory_space<vmem>> -> memref<1x80xi32, #tpu.memory_space<vmem>>
      %dma_wait3A_75 = tpu.memref_squeeze %dma_wait3A_74 : memref<1x80xi32, #tpu.memory_space<vmem>> -> memref<80xi32, #tpu.memory_space<vmem>>
      %dma_wait3A_76 = tpu.memref_slice %arg4[%multiple_of3A_71] : memref<320080xi32, #tpu.memory_space<hbm>> -> memref<80xi32, #tpu.memory_space<hbm>>
      %dma_wait3A_77 = arith.constant 0 : i32
      %dma_wait3A_78 = tpu.memref_slice %arg13[%dma_wait3A_72, %dma_wait3A_77] : memref<1x80xi32, #tpu.memory_space<vmem>> -> memref<1x80xi32, #tpu.memory_space<vmem>>
      %dma_wait3A_79 = tpu.memref_squeeze %dma_wait3A_78 : memref<1x80xi32, #tpu.memory_space<vmem>> -> memref<80xi32, #tpu.memory_space<vmem>>
      %dma_wait3A_80 = tpu.memref_slice %arg4[%multiple_of3A_71] : memref<320080xi32, #tpu.memory_space<hbm>> -> memref<80xi32, #tpu.memory_space<hbm>>
      tpu.wait_dma2 semaphore(%arg16 : memref<!tpu.dma_semaphore, #tpu.memory_space<semaphore_mem>>) src(%dma_wait3A_80 : memref<80xi32, #tpu.memory_space<hbm>>) dst(%dma_wait3A_79 : memref<80xi32, #tpu.memory_space<vmem>>)
      %dma_wait3A_81 = arith.constant 0 : i32
      %dma_wait3A_82 = arith.constant 0 : i32
      %dma_wait3A_83 = tpu.memref_slice %arg12[%dma_wait3A_81, %dma_wait3A_82] : memref<1x80xi32, #tpu.memory_space<vmem>> -> memref<1x80xi32, #tpu.memory_space<vmem>>
      %dma_wait3A_84 = tpu.memref_squeeze %dma_wait3A_83 : memref<1x80xi32, #tpu.memory_space<vmem>> -> memref<80xi32, #tpu.memory_space<vmem>>
      %dma_wait3A_85 = arith.constant 0 : i32
      %dma_wait3A_86 = arith.constant 0 : i32
      %dma_wait3A_87 = tpu.memref_slice %arg18[%dma_wait3A_85, %dma_wait3A_86] : memref<10240x128xf32, #tpu.memory_space<vmem_shared>> -> memref<10240x128xf32, #tpu.memory_space<vmem_shared>>
      tpu.wait_indirect_dma semaphore(%arg15 : memref<!tpu.dma_semaphore, #tpu.memory_space<semaphore_mem>>) src(%arg8 : memref<80x128xf32, #tpu.memory_space<vmem>>) dst(%dma_wait3A_87 : memref<10240x128xf32, #tpu.memory_space<vmem_shared>>)
    } else {
    }
    %barrier3A_16 = arith.constant 0 : index
    tpu.barrier barrier_id(%barrier3A_16)
    %scan3A_17 = arith.constant 0 : i32
    %scan3A_18 = arith.constant 0 : i32
    %scan3A_19 = arith.constant 8 : i32
    %scan3A_20 = arith.addi %scan3A_18, %scan3A_19 : i32
    %scan3A_21 = arith.constant 1 : i32
    scf.for %scan3A_23 = %scan3A_18 to %scan3A_20 step %scan3A_21  : i32 {
      %mul3A_24 = arith.constant 640 : i32
      %mul3A_25 = arith.muli %arg1, %mul3A_24 : i32
      %mul3A_26 = arith.constant 80 : i32
      %mul3A_27 = arith.muli %scan3A_23, %mul3A_26 : i32
      %add3A_28 = arith.addi %mul3A_25, %mul3A_27 : i32
      %multiple_of3A = tpu.assume_multiple %add3A_28, 8 : i32
      "tpu.region"() ({
        %run_scoped3A = tpu.sem_alloc : memref<!tpu.dma_semaphore, #tpu.memory_space<semaphore_mem>>
        %dma_start3A = arith.constant 0 : i32
        %dma_start3A_32 = tpu.memref_slice %arg18[%multiple_of3A, %dma_start3A] : memref<10240x128xf32, #tpu.memory_space<vmem_shared>> -> memref<80x128xf32, #tpu.memory_space<vmem_shared>>
        %dma_start3A_33 = arith.constant 0 : i32
        %dma_start3A_34 = tpu.memref_slice %arg18[%multiple_of3A, %dma_start3A_33] : memref<10240x128xf32, #tpu.memory_space<vmem_shared>> -> memref<80x128xf32, #tpu.memory_space<vmem_shared>>
        tpu.enqueue_dma source(%dma_start3A_34 : memref<80x128xf32, #tpu.memory_space<vmem_shared>>) target(%arg8 : memref<80x128xf32, #tpu.memory_space<vmem>>) target_semaphore(%run_scoped3A : memref<!tpu.dma_semaphore, #tpu.memory_space<semaphore_mem>>)
        %dma_wait3A = arith.constant 0 : i32
        %dma_wait3A_35 = tpu.memref_slice %arg18[%multiple_of3A, %dma_wait3A] : memref<10240x128xf32, #tpu.memory_space<vmem_shared>> -> memref<80x128xf32, #tpu.memory_space<vmem_shared>>
        %dma_wait3A_36 = arith.constant 0 : i32
        %dma_wait3A_37 = tpu.memref_slice %arg18[%multiple_of3A, %dma_wait3A_36] : memref<10240x128xf32, #tpu.memory_space<vmem_shared>> -> memref<80x128xf32, #tpu.memory_space<vmem_shared>>
        tpu.wait_dma2 semaphore(%run_scoped3A : memref<!tpu.dma_semaphore, #tpu.memory_space<semaphore_mem>>) src(%dma_wait3A_37 : memref<80x128xf32, #tpu.memory_space<vmem_shared>>) dst(%arg8 : memref<80x128xf32, #tpu.memory_space<vmem>>)
        tpu.yield
      }) : () -> ()
      %mul3A_29 = arith.constant 10240 : i32
      %mul3A_30 = arith.muli %arg0, %mul3A_29 : i32
      %add3A_31 = arith.addi %mul3A_30, %multiple_of3A : i32
      "tpu.region"() ({
        %run_scoped3A = tpu.sem_alloc : memref<!tpu.dma_semaphore, #tpu.memory_space<semaphore_mem>>
        %dma_start3A = arith.constant 0 : i32
        %dma_start3A_32 = tpu.memref_slice %arg7[%add3A_31, %dma_start3A] : memref<20480x128xf32, #tpu.memory_space<hbm>> -> memref<80x128xf32, #tpu.memory_space<hbm>>
        %dma_start3A_33 = arith.constant 0 : i32
        %dma_start3A_34 = tpu.memref_slice %arg7[%add3A_31, %dma_start3A_33] : memref<20480x128xf32, #tpu.memory_space<hbm>> -> memref<80x128xf32, #tpu.memory_space<hbm>>
        tpu.enqueue_dma source(%arg8 : memref<80x128xf32, #tpu.memory_space<vmem>>) target(%dma_start3A_34 : memref<80x128xf32, #tpu.memory_space<hbm>>) target_semaphore(%run_scoped3A : memref<!tpu.dma_semaphore, #tpu.memory_space<semaphore_mem>>)
        %dma_wait3A = arith.constant 0 : i32
        %dma_wait3A_35 = tpu.memref_slice %arg7[%add3A_31, %dma_wait3A] : memref<20480x128xf32, #tpu.memory_space<hbm>> -> memref<80x128xf32, #tpu.memory_space<hbm>>
        %dma_wait3A_36 = arith.constant 0 : i32
        %dma_wait3A_37 = tpu.memref_slice %arg7[%add3A_31, %dma_wait3A_36] : memref<20480x128xf32, #tpu.memory_space<hbm>> -> memref<80x128xf32, #tpu.memory_space<hbm>>
        tpu.wait_dma2 semaphore(%run_scoped3A : memref<!tpu.dma_semaphore, #tpu.memory_space<semaphore_mem>>) src(%arg8 : memref<80x128xf32, #tpu.memory_space<vmem>>) dst(%dma_wait3A_37 : memref<80x128xf32, #tpu.memory_space<hbm>>)
        tpu.yield
      }) : () -> ()
    }
    %scan3A_22 = arith.constant 8 : i32
    return
  }
}

module attributes {stable_mosaic.version = 14 : i64} {
  func.func @_tc0_body(%arg0: i32, %arg1: memref<1000x128xf32, #tpu.memory_space<vmem>>, %arg2: memref<128x128xf32, #tpu.memory_space<vmem>>, %arg3: memref<1000x128xf32, #tpu.memory_space<vmem>>) attributes {dimension_semantics = [#tpu.dimension_semantics<arbitrary>], iteration_bounds = array<i64: 10>, scalar_prefetch = 0 : i64, scratch_operands = 0 : i64, tpu.core_type = #tpu.core_type<tc>, window_params = [{transform_indices = @transform_0, window_bounds = array<i64: 1000, 128>}, {pipeline_mode = #tpu.pipeline_mode<synchronous>, transform_indices = @transform_1, window_bounds = array<i64: 128, 128>}, {transform_indices = @transform_2, window_bounds = array<i64: 1000, 128>}]} {
    %get3A = arith.constant 0 : index
    %get3A_0 = arith.constant 0 : index
    %get3A_1 = vector.load %arg1[%get3A, %get3A_0] : memref<1000x128xf32, #tpu.memory_space<vmem>>, vector<1000x128xf32>
    %get3A_2 = arith.constant 0 : index
    %get3A_3 = arith.constant 0 : index
    %get3A_4 = vector.load %arg2[%get3A_2, %get3A_3] : memref<128x128xf32, #tpu.memory_space<vmem>>, vector<128x128xf32>
    %dot_general3A = arith.constant dense<0.000000e+00> : vector<1000x128xf32>
    %dot_general3A_5 = tpu.matmul %get3A_1, %get3A_4, %dot_general3A {dimension_numbers = #tpu.dot_dimension_numbers<[1], [0], [0], [1], [0, 0, 1, 1], [], []>, transpose_lhs_hint = false} : vector<1000x128xf32>, vector<128x128xf32>, vector<1000x128xf32> -> vector<1000x128xf32>
    %swap3A = arith.constant 0 : index
    %swap3A_6 = arith.constant 0 : index
    %swap3A_7 = vector.load %arg3[%swap3A, %swap3A_6] : memref<1000x128xf32, #tpu.memory_space<vmem>>, vector<1000x128xf32>
    tpu.vector_store %arg3[%swap3A, %swap3A_6], %dot_general3A_5 {strides = array<i32>} : memref<1000x128xf32, #tpu.memory_space<vmem>>, vector<1000x128xf32>,
    return
  }
  func.func @transform_0(%arg0: i32) -> (i32, i32) {
    %c0_i32 = arith.constant 0 : i32
    %c0_i32_0 = arith.constant 0 : i32
    return %arg0, %c0_i32 : i32, i32
  }
  func.func @transform_1(%arg0: i32) -> (i32, i32) {
    %c0_i32 = arith.constant 0 : i32
    %c0_i32_0 = arith.constant 0 : i32
    %c0_i32_1 = arith.constant 0 : i32
    return %c0_i32, %c0_i32_0 : i32, i32
  }
  func.func @transform_2(%arg0: i32) -> (i32, i32) {
    %c0_i32 = arith.constant 0 : i32
    %c0_i32_0 = arith.constant 0 : i32
    return %arg0, %c0_i32 : i32, i32
  }
}

module attributes {stable_mosaic.version = 14 : i64} {
  func.func @_tc_mid_body(%arg0: i32, %arg1: memref<2x1000x128xf32, #tpu.memory_space<vmem>>, %arg2: memref<1000x128xf32, #tpu.memory_space<vmem>>, %arg3: memref<1000x1xf32, #tpu.memory_space<vmem>>, %arg4: memref<1000x128xf32, #tpu.memory_space<vmem>>, %arg5: memref<1x128xf32, #tpu.memory_space<vmem>>, %arg6: memref<1x128xf32, #tpu.memory_space<vmem>>, %arg7: memref<1x128xf32, #tpu.memory_space<vmem>>, %arg8: memref<1000x128xf32, #tpu.memory_space<vmem>>, %arg9: memref<1000x1xf32, #tpu.memory_space<vmem>>) attributes {dimension_semantics = [#tpu.dimension_semantics<arbitrary>], iteration_bounds = array<i64: 10>, scalar_prefetch = 0 : i64, scratch_operands = 0 : i64, tpu.core_type = #tpu.core_type<tc>, window_params = [{transform_indices = @transform_0, window_bounds = array<i64: 2, 1000, 128>}, {transform_indices = @transform_1, window_bounds = array<i64: 1000, 128>}, {transform_indices = @transform_2, window_bounds = array<i64: 1000, 1>}, {transform_indices = @transform_3, window_bounds = array<i64: 1000, 128>}, {pipeline_mode = #tpu.pipeline_mode<synchronous>, transform_indices = @transform_4, window_bounds = array<i64: 1, 128>}, {pipeline_mode = #tpu.pipeline_mode<synchronous>, transform_indices = @transform_5, window_bounds = array<i64: 1, 128>}, {pipeline_mode = #tpu.pipeline_mode<synchronous>, transform_indices = @transform_6, window_bounds = array<i64: 1, 128>}, {transform_indices = @transform_7, window_bounds = array<i64: 1000, 128>}, {transform_indices = @transform_8, window_bounds = array<i64: 1000, 1>}]} {
    %get3A = arith.constant 0 : index
    %get3A_0 = arith.constant 0 : index
    %get3A_1 = arith.constant 0 : index
    %get3A_2 = vector.load %arg1[%get3A, %get3A_0, %get3A_1] : memref<2x1000x128xf32, #tpu.memory_space<vmem>>, vector<1x1000x128xf32>
    %get3A_3 = vector.shape_cast %get3A_2 : vector<1x1000x128xf32> to vector<1000x128xf32>
    %get3A_4 = arith.constant 1 : index
    %get3A_5 = arith.constant 0 : index
    %get3A_6 = arith.constant 0 : index
    %get3A_7 = vector.load %arg1[%get3A_4, %get3A_5, %get3A_6] : memref<2x1000x128xf32, #tpu.memory_space<vmem>>, vector<1x1000x128xf32>
    %get3A_8 = vector.shape_cast %get3A_7 : vector<1x1000x128xf32> to vector<1000x128xf32>
    %add3A = arith.addf %get3A_3, %get3A_8 : vector<1000x128xf32>
    %get3A_9 = arith.constant 0 : index
    %get3A_10 = arith.constant 0 : index
    %get3A_11 = vector.load %arg2[%get3A_9, %get3A_10] : memref<1000x128xf32, #tpu.memory_space<vmem>>, vector<1000x128xf32>
    %sub3A = arith.subf %add3A, %get3A_11 : vector<1000x128xf32>
    %get3A_12 = arith.constant 0 : index
    %get3A_13 = arith.constant 0 : index
    %get3A_14 = vector.load %arg6[%get3A_12, %get3A_13] : memref<1x128xf32, #tpu.memory_space<vmem>>, vector<1x128xf32>
    %gt3A = arith.constant 0.000000e+00 : f32
    %gt3A_15 = vector.broadcast %gt3A : f32 to vector<1x128xf32>
    %gt3A_16 = arith.cmpf ogt, %get3A_14, %gt3A_15 : vector<1x128xf32>
    %get3A_17 = arith.constant 0 : index
    %get3A_18 = arith.constant 0 : index
    %get3A_19 = vector.load %arg7[%get3A_17, %get3A_18] : memref<1x128xf32, #tpu.memory_space<vmem>>, vector<1x128xf32>
    %gt3A_20 = arith.constant 0.000000e+00 : f32
    %gt3A_21 = vector.broadcast %gt3A_20 : f32 to vector<1x128xf32>
    %gt3A_22 = arith.cmpf ogt, %get3A_19, %gt3A_21 : vector<1x128xf32>
    %slice3A = vector.extract_strided_slice %gt3A_16 {offsets = [0, 0], sizes = [1, 1], strides = [1, 1]} : vector<1x128xi1> to vector<1x1xi1>
    %slice3A_23 = vector.extract_strided_slice %sub3A {offsets = [0, 0], sizes = [1000, 1], strides = [1, 1]} : vector<1000x128xf32> to vector<1000x1xf32>
    %rsqrt3A = math.rsqrt %slice3A_23 : vector<1000x1xf32>
    %get3A_24 = arith.constant 0 : index
    %get3A_25 = arith.constant 0 : index
    %get3A_26 = vector.load %arg3[%get3A_24, %get3A_25] : memref<1000x1xf32, #tpu.memory_space<vmem>>, vector<1000x1xf32>
    %broadcast_in_dim3A = vector.shape_cast %slice3A : vector<1x1xi1> to vector<1x1xi1>
    %broadcast_in_dim3A_27 = vector.broadcast %broadcast_in_dim3A : vector<1x1xi1> to vector<1000x1xi1>
    %select_n3A = arith.select %broadcast_in_dim3A_27, %rsqrt3A, %get3A_26 : vector<1000x1xi1>, vector<1000x1xf32>
    %mul3A = vector.broadcast %select_n3A : vector<1000x1xf32> to vector<1000x128xf32>
    %mul3A_28 = arith.mulf %mul3A, %sub3A : vector<1000x128xf32>
    %get3A_29 = arith.constant 0 : index
    %get3A_30 = arith.constant 0 : index
    %get3A_31 = vector.load %arg5[%get3A_29, %get3A_30] : memref<1x128xf32, #tpu.memory_space<vmem>>, vector<1x128xf32>
    %add3A_32 = vector.broadcast %get3A_31 : vector<1x128xf32> to vector<1000x128xf32>
    %add3A_33 = arith.addf %mul3A_28, %add3A_32 : vector<1000x128xf32>
    %max3A = arith.constant 0.000000e+00 : f32
    %max3A_34 = vector.broadcast %max3A : f32 to vector<1000x128xf32>
    %max3A_35 = arith.maximumf %add3A_33, %max3A_34 : vector<1000x128xf32>
    %broadcast_in_dim3A_36 = vector.shape_cast %gt3A_22 : vector<1x128xi1> to vector<1x128xi1>
    %broadcast_in_dim3A_37 = vector.broadcast %broadcast_in_dim3A_36 : vector<1x128xi1> to vector<1000x128xi1>
    %select_n3A_38 = arith.select %broadcast_in_dim3A_37, %max3A_35, %add3A_33 : vector<1000x128xi1>, vector<1000x128xf32>
    %get3A_39 = arith.constant 0 : index
    %get3A_40 = arith.constant 0 : index
    %get3A_41 = vector.load %arg4[%get3A_39, %get3A_40] : memref<1000x128xf32, #tpu.memory_space<vmem>>, vector<1000x128xf32>
    %mul3A_42 = vector.broadcast %select_n3A : vector<1000x1xf32> to vector<1000x128xf32>
    %mul3A_43 = arith.mulf %mul3A_42, %get3A_41 : vector<1000x128xf32>
    %mul3A_44 = vector.broadcast %select_n3A : vector<1000x1xf32> to vector<1000x128xf32>
    %mul3A_45 = arith.mulf %mul3A_44, %select_n3A_38 : vector<1000x128xf32>
    %broadcast_in_dim3A_46 = vector.shape_cast %gt3A_22 : vector<1x128xi1> to vector<1x128xi1>
    %broadcast_in_dim3A_47 = vector.broadcast %broadcast_in_dim3A_46 : vector<1x128xi1> to vector<1000x128xi1>
    %select_n3A_48 = arith.select %broadcast_in_dim3A_47, %mul3A_45, %select_n3A_38 : vector<1000x128xi1>, vector<1000x128xf32>
    %broadcast_in_dim3A_49 = vector.shape_cast %gt3A_16 : vector<1x128xi1> to vector<1x128xi1>
    %broadcast_in_dim3A_50 = vector.broadcast %broadcast_in_dim3A_49 : vector<1x128xi1> to vector<1000x128xi1>
    %select_n3A_51 = arith.select %broadcast_in_dim3A_50, %mul3A_43, %select_n3A_48 : vector<1000x128xi1>, vector<1000x128xf32>
    %swap3A = arith.constant 0 : index
    %swap3A_52 = arith.constant 0 : index
    %swap3A_53 = vector.load %arg8[%swap3A, %swap3A_52] : memref<1000x128xf32, #tpu.memory_space<vmem>>, vector<1000x128xf32>
    tpu.vector_store %arg8[%swap3A, %swap3A_52], %select_n3A_51 {strides = array<i32>} : memref<1000x128xf32, #tpu.memory_space<vmem>>, vector<1000x128xf32>,
    %swap3A_54 = arith.constant 0 : index
    %swap3A_55 = arith.constant 0 : index
    %swap3A_56 = vector.load %arg9[%swap3A_54, %swap3A_55] : memref<1000x1xf32, #tpu.memory_space<vmem>>, vector<1000x1xf32>
    tpu.vector_store %arg9[%swap3A_54, %swap3A_55], %select_n3A {strides = array<i32>} : memref<1000x1xf32, #tpu.memory_space<vmem>>, vector<1000x1xf32>,
    return
  }
  func.func @transform_0(%arg0: i32) -> (i32, i32, i32) {
    %c0_i32 = arith.constant 0 : i32
    %c0_i32_0 = arith.constant 0 : i32
    %c0_i32_1 = arith.constant 0 : i32
    return %c0_i32, %arg0, %c0_i32_0 : i32, i32, i32
  }
  func.func @transform_1(%arg0: i32) -> (i32, i32) {
    %c0_i32 = arith.constant 0 : i32
    %c0_i32_0 = arith.constant 0 : i32
    return %arg0, %c0_i32 : i32, i32
  }
  func.func @transform_2(%arg0: i32) -> (i32, i32) {
    %c0_i32 = arith.constant 0 : i32
    %c0_i32_0 = arith.constant 0 : i32
    return %arg0, %c0_i32 : i32, i32
  }
  func.func @transform_3(%arg0: i32) -> (i32, i32) {
    %c0_i32 = arith.constant 0 : i32
    %c0_i32_0 = arith.constant 0 : i32
    return %arg0, %c0_i32 : i32, i32
  }
  func.func @transform_4(%arg0: i32) -> (i32, i32) {
    %c0_i32 = arith.constant 0 : i32
    %c0_i32_0 = arith.constant 0 : i32
    %c0_i32_1 = arith.constant 0 : i32
    return %c0_i32, %c0_i32_0 : i32, i32
  }
  func.func @transform_5(%arg0: i32) -> (i32, i32) {
    %c0_i32 = arith.constant 0 : i32
    %c0_i32_0 = arith.constant 0 : i32
    %c0_i32_1 = arith.constant 0 : i32
    return %c0_i32, %c0_i32_0 : i32, i32
  }
  func.func @transform_6(%arg0: i32) -> (i32, i32) {
    %c0_i32 = arith.constant 0 : i32
    %c0_i32_0 = arith.constant 0 : i32
    %c0_i32_1 = arith.constant 0 : i32
    return %c0_i32, %c0_i32_0 : i32, i32
  }
  func.func @transform_7(%arg0: i32) -> (i32, i32) {
    %c0_i32 = arith.constant 0 : i32
    %c0_i32_0 = arith.constant 0 : i32
    return %arg0, %c0_i32 : i32, i32
  }
  func.func @transform_8(%arg0: i32) -> (i32, i32) {
    %c0_i32 = arith.constant 0 : i32
    %c0_i32_0 = arith.constant 0 : i32
    return %arg0, %c0_i32 : i32, i32
  }
}

module attributes {stable_mosaic.version = 14 : i64} {
  func.func @_tc3_body(%arg0: i32, %arg1: memref<1000x128xf32, #tpu.memory_space<vmem>>, %arg2: memref<128x64xf32, #tpu.memory_space<vmem>>, %arg3: memref<1x64xf32, #tpu.memory_space<vmem>>, %arg4: memref<128x64xf32, #tpu.memory_space<vmem>>, %arg5: memref<1x64xf32, #tpu.memory_space<vmem>>, %arg6: memref<1000x64xf32, #tpu.memory_space<vmem>>, %arg7: memref<1000x64xf32, #tpu.memory_space<vmem>>) attributes {dimension_semantics = [#tpu.dimension_semantics<arbitrary>], iteration_bounds = array<i64: 10>, scalar_prefetch = 0 : i64, scratch_operands = 0 : i64, tpu.core_type = #tpu.core_type<tc>, window_params = [{transform_indices = @transform_0, window_bounds = array<i64: 1000, 128>}, {pipeline_mode = #tpu.pipeline_mode<synchronous>, transform_indices = @transform_1, window_bounds = array<i64: 128, 64>}, {pipeline_mode = #tpu.pipeline_mode<synchronous>, transform_indices = @transform_2, window_bounds = array<i64: 1, 64>}, {pipeline_mode = #tpu.pipeline_mode<synchronous>, transform_indices = @transform_3, window_bounds = array<i64: 128, 64>}, {pipeline_mode = #tpu.pipeline_mode<synchronous>, transform_indices = @transform_4, window_bounds = array<i64: 1, 64>}, {transform_indices = @transform_5, window_bounds = array<i64: 1000, 64>}, {transform_indices = @transform_6, window_bounds = array<i64: 1000, 64>}]} {
    %get3A = arith.constant 0 : index
    %get3A_0 = arith.constant 0 : index
    %get3A_1 = vector.load %arg1[%get3A, %get3A_0] : memref<1000x128xf32, #tpu.memory_space<vmem>>, vector<1000x128xf32>
    %get3A_2 = arith.constant 0 : index
    %get3A_3 = arith.constant 0 : index
    %get3A_4 = vector.load %arg2[%get3A_2, %get3A_3] : memref<128x64xf32, #tpu.memory_space<vmem>>, vector<128x64xf32>
    %dot_general3A = arith.constant dense<0.000000e+00> : vector<1000x64xf32>
    %dot_general3A_5 = tpu.matmul %get3A_1, %get3A_4, %dot_general3A {dimension_numbers = #tpu.dot_dimension_numbers<[1], [0], [0], [1], [0, 0, 1, 1], [], []>, transpose_lhs_hint = false} : vector<1000x128xf32>, vector<128x64xf32>, vector<1000x64xf32> -> vector<1000x64xf32>
    %get3A_6 = arith.constant 0 : index
    %get3A_7 = arith.constant 0 : index
    %get3A_8 = vector.load %arg3[%get3A_6, %get3A_7] : memref<1x64xf32, #tpu.memory_space<vmem>>, vector<1x64xf32>
    %add3A = vector.broadcast %get3A_8 : vector<1x64xf32> to vector<1000x64xf32>
    %add3A_9 = arith.addf %dot_general3A_5, %add3A : vector<1000x64xf32>
    %swap3A = arith.constant 0 : index
    %swap3A_10 = arith.constant 0 : index
    %swap3A_11 = vector.load %arg6[%swap3A, %swap3A_10] : memref<1000x64xf32, #tpu.memory_space<vmem>>, vector<1000x64xf32>
    tpu.vector_store %arg6[%swap3A, %swap3A_10], %add3A_9 {strides = array<i32>} : memref<1000x64xf32, #tpu.memory_space<vmem>>, vector<1000x64xf32>,
    %get3A_12 = arith.constant 0 : index
    %get3A_13 = arith.constant 0 : index
    %get3A_14 = vector.load %arg4[%get3A_12, %get3A_13] : memref<128x64xf32, #tpu.memory_space<vmem>>, vector<128x64xf32>
    %dot_general3A_15 = arith.constant dense<0.000000e+00> : vector<1000x64xf32>
    %dot_general3A_16 = tpu.matmul %get3A_1, %get3A_14, %dot_general3A_15 {dimension_numbers = #tpu.dot_dimension_numbers<[1], [0], [0], [1], [0, 0, 1, 1], [], []>, transpose_lhs_hint = false} : vector<1000x128xf32>, vector<128x64xf32>, vector<1000x64xf32> -> vector<1000x64xf32>
    %get3A_17 = arith.constant 0 : index
    %get3A_18 = arith.constant 0 : index
    %get3A_19 = vector.load %arg5[%get3A_17, %get3A_18] : memref<1x64xf32, #tpu.memory_space<vmem>>, vector<1x64xf32>
    %add3A_20 = vector.broadcast %get3A_19 : vector<1x64xf32> to vector<1000x64xf32>
    %add3A_21 = arith.addf %dot_general3A_16, %add3A_20 : vector<1000x64xf32>
    %swap3A_22 = arith.constant 0 : index
    %swap3A_23 = arith.constant 0 : index
    %swap3A_24 = vector.load %arg7[%swap3A_22, %swap3A_23] : memref<1000x64xf32, #tpu.memory_space<vmem>>, vector<1000x64xf32>
    tpu.vector_store %arg7[%swap3A_22, %swap3A_23], %add3A_21 {strides = array<i32>} : memref<1000x64xf32, #tpu.memory_space<vmem>>, vector<1000x64xf32>,
    return
  }
  func.func @transform_0(%arg0: i32) -> (i32, i32) {
    %c0_i32 = arith.constant 0 : i32
    %c0_i32_0 = arith.constant 0 : i32
    return %arg0, %c0_i32 : i32, i32
  }
  func.func @transform_1(%arg0: i32) -> (i32, i32) {
    %c0_i32 = arith.constant 0 : i32
    %c0_i32_0 = arith.constant 0 : i32
    %c0_i32_1 = arith.constant 0 : i32
    return %c0_i32, %c0_i32_0 : i32, i32
  }
  func.func @transform_2(%arg0: i32) -> (i32, i32) {
    %c0_i32 = arith.constant 0 : i32
    %c0_i32_0 = arith.constant 0 : i32
    %c0_i32_1 = arith.constant 0 : i32
    return %c0_i32, %c0_i32_0 : i32, i32
  }
  func.func @transform_3(%arg0: i32) -> (i32, i32) {
    %c0_i32 = arith.constant 0 : i32
    %c0_i32_0 = arith.constant 0 : i32
    %c0_i32_1 = arith.constant 0 : i32
    return %c0_i32, %c0_i32_0 : i32, i32
  }
  func.func @transform_4(%arg0: i32) -> (i32, i32) {
    %c0_i32 = arith.constant 0 : i32
    %c0_i32_0 = arith.constant 0 : i32
    %c0_i32_1 = arith.constant 0 : i32
    return %c0_i32, %c0_i32_0 : i32, i32
  }
  func.func @transform_5(%arg0: i32) -> (i32, i32) {
    %c0_i32 = arith.constant 0 : i32
    %c0_i32_0 = arith.constant 0 : i32
    return %arg0, %c0_i32 : i32, i32
  }
  func.func @transform_6(%arg0: i32) -> (i32, i32) {
    %c0_i32 = arith.constant 0 : i32
    %c0_i32_0 = arith.constant 0 : i32
    return %arg0, %c0_i32 : i32, i32
  }
}

</mosaic_0001>

<sc_bundles>
// kernel: body.8.cloned.1.call-start
scs
__scs_entry_jumppad:
0x0: {  	(pc) =	sbr.rel $0x88, $3  }
0x1: {  	(tag) =	ssettag $0x0;
	lr =	simm.s32 $0x1  }
0x2: {  	[smem:$0x3F99] =	sst lr;
	_ =	strace $0xD0000000  }
0x3: {  	_ = 	snop  }
0x4: {  	_ = 	snop  }
0x5: {  	_ = 	snop  }
0x6: {  	_ = 	snop  }
0x7: {  	_ = 	snop  }
__scs_overlays_trampoline_lowered:
0x8: {  	[smem:$0x3FA8] =	sst s0  }
0x9: {  	[smem:$0x3FA9] =	sst s1  }
0xa: {  	[smem:$0x3FAA] =	sst s2  }
0xb: {  	[smem:$0x3FAB] =	sst s3  }
0xc: {  	[smem:$0x3FAC] =	sst s4  }
0xd: {  	[smem:$0x3FAD] =	sst s5  }
0xe: {  	[smem:$0x3FAE] =	sst s6  }
0xf: {  	[smem:$0x3FAF] =	sst s7  }
0x10: {  	[smem:$0x3FB0] =	sst s8  }
0x11: {  	[smem:$0x3FB1] =	sst s9;
	s0 =	simm.s32 @!p0 $0x0  }
0x12: {  	s1 =	sld [smem:$0x3F97];
	s0 =	simm.s32 @p0 $0x1  }
0x13: {  	[smem:$0x3FB2] =	sst s0;
	s0 =	simm.s32 @!p1 $0x0  }
0x14: {  	s2 =	sld [smem:$0x3F96];
	s0 =	simm.s32 @p1 $0x1  }
0x15: {  	[smem:$0x3FB3] =	sst s0;
	s0 =	simm.s32 @!p2 $0x0  }
0x16: {  	s3 =	sld [smem:$0x3FDB];
	s0 =	simm.s32 @p2 $0x1  }
0x17: {  	s4 =	simm.s32 $0x1BF5;
	[smem:$0x3FB5] =	sst s0  }
0x18: {  	s0 =	sld [smem:$0x3F98];
	_ =	swait.ge [sflag:s4], $0x0  }
0x19: {  	s7 =	sld [smem:$0x3F99]  }
0x1a: {  	s8 =	sadd.s32 $0xFFFFE003, lr  }
0x1b: {  	s9 =	sadd.s32 $0xFFFFFEF7, lr;
	s5 =	simm.s32 $0xFFFFFFFF;
	p2 =	slt.u32 s8, $0xFFFFF086  }
0x1c: {  	p1 =	slt.u32 s9, $0xF7A;
	s5 =	simm.s32 @!p2 $0x0  }
0x1d: {  	s5 =	simm.s32 @p1 $0x1;
	p0 =	seq.s32 s7, s2  }
0x1e: {  	s7 =	smul.u32 @!p0 $0xF7A, s2;
	p2 =	seq.s32 @!p0 s5, $0x0  }
0x1f: {  	s9 =	smul.u32 $0xF7A, s1;
	s8 =	simm.s32 @!p0 $0x1BF5;
	p2 =	por !p2, p0  }
0x20: {  	[sflag:s8] =	ssyncset.s32 @!p0 $0xFFFFF086;
	s6 =	sadd.s32 @!p0 s3, s7;
	s7 =	simm.s32 @!p0 $0x108  }
0x21: {  	s3 =	sadd.s32 s3, s9;
	s6 =	sadd.s32 @!p0 $0x88, s6;
	s7 =	simm.s32 @p2 $0x1082  }
0x22: {  	[simem:s7], [sflag:s8] =	dma.local @!p0 [hbm:s6], $0xF7A  }
0x23: {  	s9 =	sor.u32 $0xD0000000, s2;
	s6 =	simm.s32 $0x108;
	_ =	swait.ge @!p0 [sflag:s8], $0x0  }
0x24: {  	s3 =	sadd.s32 $0x88, s3;
	s6 =	simm.s32 @!p1 $0x1082;
	[sflag:s4] =	ssyncset.s32 $0xFFFFF086  }
0x25: {  	[simem:s6], [sflag:s4] =	dma.local [hbm:s3], $0xF7A  }
0x26: {  	[smem:$0x3F99] =	sst s1;
	(tag) =	ssettag s2;
	_ =	strace s9  }
0x27: {  	s1 =	sld [smem:$0x3FA9]  }
0x28: {  	s2 =	sld [smem:$0x3FAA]  }
0x29: {  	s4 =	sld [smem:$0x3FAC]  }
0x2a: {  	p0 =	seq.s32 s5, $0x0;
	s5 =	sld [smem:$0x3FAD]  }
0x2b: {  	s6 =	sld [smem:$0x3FAE]  }
0x2c: {  	s7 =	sld [smem:$0x3FAF]  }
0x2d: {  	s3 =	simm.s32 $0x108;
	s8 =	sld [smem:$0x3FB0]  }
0x2e: {  	s3 =	simm.s32 @!p0 $0x1082;
	s9 =	sld [smem:$0x3FB1]  }
0x2f: {  	lr =	sadd.s32 s0, s3;
	s0 =	sld [smem:$0x3FA8]  }
0x30: {  	s3 =	sld [smem:$0x3FAB]  }
0x31: {  	[smem:$0x3FB4] =	sst s10  }
0x32: {  	s10 =	sld [smem:$0x3FB2];
	_ =	sdelay $0x3  }
0x33: {  	p0 =	seq.s32 s10, $0x1;
	s10 =	sld [smem:$0x3FB4];
	_ =	sdelay $0x3  }
0x34: {  	[smem:$0x3FB4] =	sst s10  }
0x35: {  	s10 =	sld [smem:$0x3FB3];
	_ =	sdelay $0x3  }
0x36: {  	p1 =	seq.s32 s10, $0x1;
	s10 =	sld [smem:$0x3FB4];
	_ =	sdelay $0x3  }
0x37: {  	[smem:$0x3FB4] =	sst s10  }
0x38: {  	s10 =	sld [smem:$0x3FB5]  }
0x39: {  	_ = 	snop;
	(pc) =	sbr.ind lr, $3  }
0x3a: {  	_ = 	snop  }
0x3b: {  	_ = 	snop  }
0x3c: {  	p2 =	seq.s32 s10, $0x1;
	s10 =	sld [smem:$0x3FB4]  }
0x3d: {  	_ =	shalt  }
0x3e: {  	_ =	shalt  }
0x3f: {  	_ =	shalt  }
0x40: {  	_ =	shalt  }
0x41: {  	_ =	shalt  }
0x42: {  	_ =	shalt  }
0x43: {  	_ =	shalt  }
0x44: {  	_ =	shalt  }
0x45: {  	_ =	shalt  }
0x46: {  	_ =	shalt  }
0x47: {  	_ =	shalt  }
0x48: {  	_ =	shalt  }
0x49: {  	_ =	shalt  }
0x4a: {  	_ =	shalt  }
0x4b: {  	_ =	shalt  }
0x4c: {  	_ =	shalt  }
0x4d: {  	_ =	shalt  }
0x4e: {  	_ =	shalt  }
0x4f: {  	_ =	shalt  }
0x50: {  	_ =	shalt  }
0x51: {  	_ =	shalt  }
0x52: {  	_ =	shalt  }
0x53: {  	_ =	shalt  }
0x54: {  	_ =	shalt  }
0x55: {  	_ =	shalt  }
0x56: {  	_ =	shalt  }
0x57: {  	_ =	shalt  }
0x58: {  	_ =	shalt  }
0x59: {  	_ =	shalt  }
0x5a: {  	_ =	shalt  }
0x5b: {  	_ =	shalt  }
0x5c: {  	_ =	shalt  }
0x5d: {  	_ =	shalt  }
0x5e: {  	_ =	shalt  }
0x5f: {  	_ =	shalt  }
0x60: {  	_ =	shalt  }
0x61: {  	_ =	shalt  }
0x62: {  	_ =	shalt  }
0x63: {  	_ =	shalt  }
0x64: {  	_ =	shalt  }
0x65: {  	_ =	shalt  }
0x66: {  	_ =	shalt  }
0x67: {  	_ =	shalt  }
0x68: {  	_ =	shalt  }
0x69: {  	_ =	shalt  }
0x6a: {  	_ =	shalt  }
0x6b: {  	_ =	shalt  }
0x6c: {  	_ =	shalt  }
0x6d: {  	_ =	shalt  }
0x6e: {  	_ =	shalt  }
0x6f: {  	_ =	shalt  }
0x70: {  	_ =	shalt  }
0x71: {  	_ =	shalt  }
0x72: {  	_ =	shalt  }
0x73: {  	_ =	shalt  }
0x74: {  	_ =	shalt  }
0x75: {  	_ =	shalt  }
0x76: {  	_ =	shalt  }
0x77: {  	_ =	shalt  }
0x78: {  	_ =	shalt  }
0x79: {  	_ =	shalt  }
0x7a: {  	_ =	shalt  }
0x7b: {  	_ =	shalt  }
0x7c: {  	_ =	shalt  }
0x7d: {  	_ =	shalt  }
0x7e: {  	_ =	shalt  }
0x7f: {  	_ =	shalt  }
0x80: {  	_ =	shalt  }
0x81: {  	_ =	shalt  }
0x82: {  	_ =	shalt  }
0x83: {  	_ =	shalt  }
0x84: {  	_ =	shalt  }
0x85: {  	_ =	shalt  }
0x86: {  	_ =	shalt  }
0x87: {  	_ =	shalt  }
.Lfunc_end0:
.L_simem_size_0:
called_computation_lowered:
.L_overlay_start_0:
0x88: {  	s2 =	sld [smem:$0x3FD9]  }
0x89: {  	s3 =	sld [smem:$0x3FFE];
	_ =	sdelay $0x1  }
0x8a: {  	s1 =	srdreg.scid  }
0x8b: {  	s0 =	sand.u32 $0x1, s1  }
0x8c: {  	s14 =	sshll.u32 s0, $0xA;
	s2 =	sadd.s32 s3, s2  }
0x8d: {  	s2 =	sadd.s32 s2, s14  }
0x8e: {  	[smem:$0x3FC0] =	sst s2  }
0x8f: {  	_ = 	snop  }
0x90: {  	s2 =	sld [smem:$0x3FD0];
	_ =	sdelay $0x2  }
0x91: {  	s15 =	simm.s32 $0xA;
	s4 =	simm.s32 $0x10  }
0x92: {  	[smem:s4], [sflag:s15] =	dma.local [hbm:s2], $0x1  }
0x93: {  	_ =	swait.eq [sflag:s15], $0x1  }
0x94: {  	[sflag:s15] =	ssyncset.done $0x0  }
0x95: {  	s16 =	sld [smem:$0x10];
	[sflag:s15] =	ssyncadd.s32 $0xFFFFFFFF  }
0x96: {  	s17 =	sld [smem:$0x11];
	(tm) =	ssettm $0x1  }
0x97: {  	s18 =	sld [smem:$0x3FFB];
	_ =	sdelay $0x3  }
0x98: {  	_ =	strace s18  }
0x99: {  	s4 =	sld [smem:$0x3FFC];
	_ =	sdelay $0x3  }
0x9a: {  	_ =	strace s4  }
0x9b: {  	s4 =	sld [smem:$0x3FFD];
	_ =	sdelay $0x3  }
0x9c: {  	_ =	strace s4  }
0x9d: {  	_ =	strace $0x8FFFFFFF  }
0x9e: {  	s19 =	sld [smem:$0x3FDB];
	_ =	sdelay $0x1  }
0x9f: {  	s5 =	simm.s32 $_scs_section_size  }
0xa0: {  	s6 =	simm.s32 $_size__tile_overlayer_lowered;
	s7 =	simm.s32 $_tile_overlayer_lowered  }
0xa1: {  	s22 =	simm.s32 $0x1BFF;
	s21 =	sshll.u32 s7, $0x1;
	s4 =	sadd.s32 s5, s19  }
0xa2: {  	s8 =	simm.s32 $0x0;
	s20 =	sshll.u32 s6, $0x1;
	s6 =	sadd.s32 s21, s4  }
0xa3: {  	[timem:s8], [sflag:s22] =	dma.local [hbm:s6], s20  }
0xa4: {  	_ =	swait.ge [sflag:s22], s20  }
0xa5: {  	s5 =	ssub.s32 $0x0, s20;
	[sflag:s22] =	ssyncset.done $0x0  }
0xa6: {  	[sflag:s22] =	ssyncadd.s32 s5;
	_ =	sdelay $0x1  }
0xa7: {  	s23 =	simm.s32 $0x1B8B  }
0xa8: {  	_ =	swait.ge [sflag:s23], $0x1  }
0xa9: {  	[sflag:s23] =	ssyncset.done $0x0  }
0xaa: {  	s25 =	simm.s32 $0x1B8E;
	s24 =	sld [smem:$0x3FFE];
	[sflag:s23] =	ssyncadd.s32 $0xFFFFFFFF  }
0xab: {  	s26 =	simm.s32 $execute0_lowered;
	[smem:$0x3FD2] =	sst s25  }
0xac: {  	s6 =	sshll.u32 s26, $0x1;
	_ =	strace $0x80000046;
	[dreg:$0x1] =	wrdreg $0xFFFFFFFF  }
0xad: {  	s28 =	simm.s32 $_size_execute0_lowered;
	s4 =	sadd.s32 s4, s6;
	[dreg:$0x0] =	wrdreg $0x0  }
0xae: {  	s6 =	sshll.u32 s28, $0x1;
	[dreg:$0x2] =	wrdreg s4  }
0xaf: {  	[dreg:$0x3] =	wrdreg s6  }
0xb0: {  	[dreg:$0x4] =	wrdreg $0xC0  }
0xb1: {  	_ =	task [dreg:s8], $0x5FFFF  }
0xb2: {  	[dreg:$0x1] =	wrdreg $0xFFFFFFFF  }
0xb3: {  	[dreg:$0x0] =	wrdreg $0x60  }
0xb4: {  	[dreg:$0x2] =	wrdreg s24  }
0xb5: {  	[dreg:$0x3] =	wrdreg s17  }
0xb6: {  	[dreg:$0x4] =	wrdreg s16  }
0xb7: {  	[dreg:$0x5] =	wrdreg $0x52800  }
0xb8: {  	[dreg:$0x6] =	wrdreg $0x9  }
0xb9: {  	_ =	task.clear_ibuf [dreg:s8], $0x7FFFF;
	_ =	strace $0x90000046  }
0xba: {  	s29 =	simm.s32 $0x9;
	_ =	strace $0x80000048  }
0xbb: {  	_ =	swait.ge [sflag:s29], $0x1  }
0xbc: {  	[sflag:s29] =	ssyncadd.s32 $0xFFFFFFFF  }
0xbd: {  	_ =	strace $0x90000048  }
0xbe: {  	_ =	sfence  }
0xbf: {  	s30 =	sld [smem:$0x0];
	_ =	sdelay $0x2  }
0xc0: {  	s31 =	sshll.u32 s1, $0xD;
	s1 =	sshrl.u32 s1, $0x2  }
0xc1: {  	s3 =	sand.u32 $0x4000, s31;
	s1 =	sadd.s32 s1, s30  }
0xc2: {  	s0 =	sor.u32 s3, s0;
	s1 =	sshll.u32 s1, $0x11  }
0xc3: {  	s0 =	sor.u32 s1, s0  }
0xc4: {  	s0 =	sadd.s32 $0x8F2B, s0  }
0xc5: {  	[sflag:s0] =	ssyncadd.remote.s32 $0x1  }
0xc6: {  	_ =	sfence.sel $0xFFFF  }
0xc7: {  	[dreg:$0x0] =	wrdreg $0xFFFFFFFF;
	(pc) =	sbr.abs _section_cstart, $3  }
0xc8: {  	[dreg:$0x1] =	wrdreg $0xFFFFFFFF  }
0xc9: {  	_ =	task.clear_ibuf [dreg:s8], $0x2FFFF;
	_ =	strace $0x9FFFFFFF  }
0xca: {  	(tm) =	ssettm $0x7FFFFFFF  }
0xcb: {  	_ =	shalt  }
tec
execute0_lowered:
.L_overlay_start_1:
0x0: {  	(tag) =	ssettag $0x1  }
0x1: {  	s7 =	rddreg [dreg:$0x0]  }
0x2: {  	s1 =	rddreg [dreg:$0x1]  }
0x3: {  	s0 =	srdreg.scid;
	s2 =	rddreg [dreg:$0x2]  }
0x4: {  	s20 =	stileid.u32;
	s3 =	rddreg [dreg:$0x3];
	s4 =	simm.s32 $0x0  }
0x5: {  	s29 =	simm.s32 $0x0;
	s8 =	sand.u32 $0x1, s0;
	s10 =	smul.u32 $0x280, s20  }
0x6: {  	[smem:$0x7FF] =	sst s4;
	s22 =	sadd.s32 $0x7A800, s7;
	s13 =	smul.u32 $0x2800, s8  }
0x7: {  	s0 =	sshll.u32 s8, $0x4;
	s5 =	ssub.s32 $0x2, s8;
	s8 =	smul.u32 $0x27100, s8  }
0x8: {  	s0 =	sor.u32 s20, s0;
	s18 =	sshrl.u32 s5, $0x1;
	s15 =	sor.u32 $0x50, s10  }
0x9: {  	s24 =	sadd.s32 $0xA0, s10;
	s17 =	sadd.s32 $0xF0, s10;
	s23 =	sadd.s32 $0x190, s10  }
0xa: {  	s9 =	smul.u32 $0x2710, s0;
	s12 =	ssub.s32 s5, s18;
	s18 =	sadd.s32 $0x140, s10  }
0xb: {  	s5 =	sadd.s32 $0x1E0, s10;
	s0 =	sadd.s32 $0x230, s10;
	s10 =	sadd.s32 s13, s10  }
0xc: {  	s14 =	sadd.s32 s13, s15;
	s21 =	sadd.s32 s13, s24;
	s16 =	sadd.s32 s13, s23  }
0xd: {  	s10 =	sshll.u32 s10, $0x4;
	s14 =	sshll.u32 s14, $0x4;
	s25 =	sshll.u32 s21, $0x4  }
0xe: {  	s11 =	sadd.s32 s13, s18;
	s21 =	sadd.s32 $0x7A000, s7;
	s6 =	sadd.s32 s22, s10  }
0xf: {  	s19 =	sadd.s32 s22, s14;
	s26 =	sadd.s32 s22, s25;
	[dreg:$0x1f] =	wrdreg s6  }
0x10: {  	s14 =	sshll.u32 s11, $0x4;
	s11 =	smul.u32 $0x2710, s20;
	[smem:$0x7FA] =	sst s19  }
0x11: {  	[smem:$0x7FB] =	sst s26;
	s6 =	sadd.s32 s13, s17;
	s25 =	sadd.s32 s22, s14  }
0x12: {  	s26 =	sshll.u32 s16, $0x4;
	s14 =	sadd.s32 $0x52000, s7;
	s7 =	sadd.s32 $0x7A200, s7  }
0x13: {  	s10 =	sshll.u32 s6, $0x4;
	[dreg:$0x5] =	wrdreg s25;
	s6 =	sadd.s32 s13, s5  }
0x14: {  	s13 =	sadd.s32 s13, s0;
	s25 =	smul.u32 $0x50000, s20;
	s19 =	sadd.s32 s22, s10  }
0x15: {  	s10 =	sadd.s32 s22, s26;
	s16 =	sshll.u32 s13, $0x4;
	[smem:$0x7FC] =	sst s19  }
0x16: {  	[dreg:$0x6] =	wrdreg s10;
	s10 =	sshll.u32 s6, $0x4;
	s30 =	sadd.s32 s22, s16  }
0x17: {  	s19 =	sshrl.u32 s9, $0x3;
	s6 =	smul.u32 $0x2800, s20;
	s16 =	sshll.u32 s15, $0x4  }
0x18: {  	s20 =	sshll.u32 s15, $0x7;
	s15 =	sshll.u32 s23, $0x4;
	s10 =	sadd.s32 s22, s10  }
0x19: {  	s22 =	sadd.s32 s1, s19;
	s26 =	sadd.s32 s2, s19;
	[dreg:$0x7] =	wrdreg s10  }
0x1a: {  	s10 =	sadd.s32 s11, s8;
	_ =	strace $0x80000047;
	[dreg:$0x8] =	wrdreg s21  }
0x1b: {  	s8 =	sadd.s32 $0xA, s19;
	s19 =	smax.u32 s12, $0x1;
	[dreg:$0x9] =	wrdreg s7  }
0x1c: {  	s13 =	sadd.s32 s14, s6;
	s12 =	sshll.u32 s18, $0x4;
	[dreg:$0xa] =	wrdreg s22  }
0x1d: {  	[dreg:$0xb] =	wrdreg s26;
	s11 =	sadd.s32 s1, s8;
	s8 =	sadd.s32 s2, s8  }
0x1e: {  	s7 =	sshrl.u32 s25, $0x2;
	[dreg:$0xe] =	wrdreg s13;
	s21 =	sshll.u32 s24, $0x4  }
0x1f: {  	s24 =	sshll.u32 s24, $0x7;
	s25 =	sshll.u32 s17, $0x4;
	[dreg:$0x15] =	wrdreg s19  }
0x20: {  	s26 =	sshll.u32 s17, $0x7;
	s13 =	sshll.u32 s18, $0x7;
	[dreg:$0x1e] =	wrdreg s30  }
0x21: {  	s18 =	sadd.s32 s14, s15;
	s15 =	simm.s32 $0x3;
	[dreg:$0xc] =	wrdreg s11  }
0x22: {  	[dreg:$0xd] =	wrdreg s8;
	s11 =	sadd.s32 s7, s3;
	s7 =	sadd.s32 s14, s16  }
0x23: {  	s16 =	sadd.s32 s20, s3;
	s22 =	sadd.s32 s14, s21;
	s6 =	sadd.s32 s24, s3  }
0x24: {  	s8 =	sadd.s32 s14, s25;
	s17 =	sadd.s32 s26, s3;
	[dreg:$0x16] =	wrdreg s18  }
0x25: {  	s31 =	sadd.s32 s13, s3;
	s20 =	sshll.u32 s23, $0x7;
	[dreg:$0xf] =	wrdreg s7  }
0x26: {  	s21 =	sshll.u32 s5, $0x4;
	s5 =	sshll.u32 s5, $0x7;
	[dreg:$0x10] =	wrdreg s22  }
0x27: {  	s23 =	sadd.s32 $0xF0, s10;
	s26 =	sadd.s32 $0xA0, s10;
	[dreg:$0x12] =	wrdreg s8  }
0x28: {  	s10 =	simm.s32 $0x4;
	s13 =	simm.s32 $0x5180;
	[dreg:$0x1d] =	wrdreg s26  }
0x29: {  	s18 =	simm.s32 $0x50;
	s7 =	sadd.s32 s14, s12;
	[dreg:$0x11] =	wrdreg s6  }
0x2a: {  	s8 =	sadd.s32 s20, s3;
	s25 =	sadd.s32 s5, s3;
	[dreg:$0x13] =	wrdreg s16  }
0x2b: {  	s22 =	sshll.u32 s0, $0x4;
	s0 =	sshll.u32 s0, $0x7;
	[dreg:$0x17] =	wrdreg s11  }
0x2c: {  	s24 =	sshrl.u32 s23, $0x3;
	s12 =	simm.s32 $0x5100;
	[dreg:$0x1c] =	wrdreg s17  }
0x2d: {  	s20 =	simm.s32 $0x2;
	s23 =	simm.s32 $0x5080;
	[smem:$0x7FD] =	sst s31  }
.Ltmp0:
0x2e: {  	s26 =	simm.s32 $0x2800;
	[dreg:$0x14] =	wrdreg s7;
	(pc) =	sbr.rel .LBB2_1-.Ltmp0, $4  }
0x2f: {  	s7 =	sadd.s32 s14, s21;
	s5 =	sadd.s32 s14, s22;
	[dreg:$0x19] =	wrdreg s25  }
0x30: {  	s28 =	sadd.s32 s0, s3;
	s22 =	simm.s32 $0x5000;
	[dreg:$0x18] =	wrdreg s7  }
0x31: {  	[dreg:$0x1a] =	wrdreg s5;
	s5 =	smov.u32 s8;
	s7 =	sadd.s32 s24, s2  }
0x32: {  	s8 =	sadd.s32 s24, s1;
	s24 =	simm.s32 $0x1;
	[dreg:$0x1b] =	wrdreg s28  }
.LBB2_7:
0x33: {  	[tilespmem:s13], [sflag:$0x3] =	stream.linear.gather [hbm4b:s17+s4], $0x50, $0x38;
	[tilespmem:$0x19280] =	vst v63  }
0x34: {  	_ =	swait.ge [sflag:s24], $0x2800  }
0x35: {  	[sflag:s24] =	ssyncset.done $0x0  }
0x36: {  	[sflag:s24] =	ssyncadd.s32 $0xFFFFD800  }
0x37: {  	[spmem:s3] =	stream.indirect.scatter.add.f32 [tilespmem:s4], [sflag:$0x2], $0x80, s12, s18, $0xb8;
	[tilespmem:$0x19280] =	vst v63  }
0x38: {  	_ =	swait.ge [sflag:s15], $0x50  }
0x39: {  	s17 =	smov.u32 s9;
	s9 =	rddreg [dreg:$0x1e]  }
0x3a: {  	s11 =	rddreg [dreg:$0x17]  }
0x3b: {  	s0 =	smov.u32 s19;
	s21 =	rddreg [dreg:$0x15]  }
0x3c: {  	s31 =	smov.u32 s6;
	[sflag:s15] =	ssyncset.done $0x0;
	s16 =	rddreg [dreg:$0x13]  }
0x3d: {  	s5 =	smov.u32 s25;
	s6 =	rddreg [dreg:$0x11];
	[sflag:s15] =	ssyncadd.s32 $0xFFFFFFB0  }
.LBB2_8:
0x3e: {  	_ =	swait.ge [sflag:s15], $0x50  }
0x3f: {  	[sflag:s15] =	ssyncset.done $0x0  }
0x40: {  	[sflag:s15] =	ssyncadd.s32 $0xFFFFFFB0  }
0x41: {  	_ =	swait.ge [sflag:s20], $0x2800  }
0x42: {  	[sflag:s20] =	ssyncset.done $0x0  }
0x43: {  	[sflag:s20] =	ssyncadd.s32 $0xFFFFD800  }
0x44: {  	[bflag:$0x0] =	sbarrier.arrive $0xFFFF  }
0x45: {  	[tilespmem:s4], [sflag:$0x4] =	stream.linear.gather [spmem:s11], $0x2800, $0x38;
	[tilespmem:$0x19280] =	vst v63  }
0x46: {  	_ =	swait.ge [sflag:s10], $0x2800  }
0x47: {  	[sflag:s10] =	ssyncset.done $0x0  }
0x48: {  	[sflag:s10] =	ssyncadd.s32 $0xFFFFD800  }
0x49: {  	[hbm4b:s0+s4] =	stream.linear.scatter [tilespmem:s4], [sflag:$0x4], $0x2800, $0x38;
	[tilespmem:$0x19280] =	vst v63  }
0x4a: {  	_ =	swait.ge [sflag:s10], $0x2800  }
0x4b: {  	[sflag:s10] =	ssyncset.done $0x0  }
0x4c: {  	[sflag:s10] =	ssyncadd.s32 $0xFFFFD800  }
0x4d: {  	[tilespmem:s4], [sflag:$0x4] =	stream.linear.gather [spmem:s16], $0x2800, $0x38;
	[tilespmem:$0x19280] =	vst v63  }
0x4e: {  	_ =	swait.ge [sflag:s10], $0x2800  }
0x4f: {  	[sflag:s10] =	ssyncset.done $0x0  }
0x50: {  	[sflag:s10] =	ssyncadd.s32 $0xFFFFD800  }
0x51: {  	[hbm4b:s17+s4] =	stream.linear.scatter [tilespmem:s4], [sflag:$0x4], $0x2800, $0x38;
	[tilespmem:$0x19280] =	vst v63  }
0x52: {  	_ =	swait.ge [sflag:s10], $0x2800  }
0x53: {  	[sflag:s10] =	ssyncset.done $0x0  }
0x54: {  	[sflag:s10] =	ssyncadd.s32 $0xFFFFD800  }
0x55: {  	[tilespmem:s4], [sflag:$0x4] =	stream.linear.gather [spmem:s6], $0x2800, $0x38;
	[tilespmem:$0x19280] =	vst v63  }
0x56: {  	_ =	swait.ge [sflag:s10], $0x2800  }
0x57: {  	[sflag:s10] =	ssyncset.done $0x0  }
0x58: {  	[sflag:s10] =	ssyncadd.s32 $0xFFFFD800  }
0x59: {  	[hbm4b:s31+s4] =	stream.linear.scatter [tilespmem:s4], [sflag:$0x4], $0x2800, $0x38;
	[tilespmem:$0x19280] =	vst v63  }
0x5a: {  	_ =	swait.ge [sflag:s10], $0x2800  }
0x5b: {  	[sflag:s10] =	ssyncset.done $0x0  }
0x5c: {  	s17 =	rddreg [dreg:$0x1c];
	[sflag:s10] =	ssyncadd.s32 $0xFFFFD800  }
0x5d: {  	[tilespmem:s4], [sflag:$0x4] =	stream.linear.gather [spmem:s17], $0x2800, $0x38;
	[tilespmem:$0x19280] =	vst v63  }
0x5e: {  	_ =	swait.ge [sflag:s10], $0x2800  }
0x5f: {  	[sflag:s10] =	ssyncset.done $0x0  }
0x60: {  	[sflag:s10] =	ssyncadd.s32 $0xFFFFD800  }
0x61: {  	[hbm4b:s28+s4] =	stream.linear.scatter [tilespmem:s4], [sflag:$0x4], $0x2800, $0x38;
	[tilespmem:$0x19280] =	vst v63  }
0x62: {  	_ =	swait.ge [sflag:s10], $0x2800  }
0x63: {  	s31 =	sld [smem:$0x7FD]  }
0x64: {  	[sflag:s10] =	ssyncset.done $0x0  }
0x65: {  	[sflag:s10] =	ssyncadd.s32 $0xFFFFD800  }
0x66: {  	[tilespmem:s4], [sflag:$0x4] =	stream.linear.gather [spmem:s31], $0x2800, $0x38;
	[tilespmem:$0x19280] =	vst v63  }
0x67: {  	_ =	swait.ge [sflag:s10], $0x2800  }
0x68: {  	[sflag:s10] =	ssyncset.done $0x0  }
0x69: {  	s19 =	rddreg [dreg:$0x5];
	[sflag:s10] =	ssyncadd.s32 $0xFFFFD800  }
0x6a: {  	[hbm4b:s19+s4] =	stream.linear.scatter [tilespmem:s4], [sflag:$0x4], $0x2800, $0x38;
	[tilespmem:$0x19280] =	vst v63  }
0x6b: {  	_ =	swait.ge [sflag:s10], $0x2800  }
0x6c: {  	[sflag:s10] =	ssyncset.done $0x0  }
0x6d: {  	[sflag:s10] =	ssyncadd.s32 $0xFFFFD800  }
0x6e: {  	[tilespmem:s4], [sflag:$0x4] =	stream.linear.gather [spmem:s5], $0x2800, $0x38;
	[tilespmem:$0x19280] =	vst v63  }
0x6f: {  	_ =	swait.ge [sflag:s10], $0x2800  }
0x70: {  	[sflag:s10] =	ssyncset.done $0x0  }
0x71: {  	s25 =	rddreg [dreg:$0x6];
	[sflag:s10] =	ssyncadd.s32 $0xFFFFD800  }
0x72: {  	[hbm4b:s25+s4] =	stream.linear.scatter [tilespmem:s4], [sflag:$0x4], $0x2800, $0x38;
	[tilespmem:$0x19280] =	vst v63  }
0x73: {  	_ =	swait.ge [sflag:s10], $0x2800  }
0x74: {  	[sflag:s10] =	ssyncset.done $0x0  }
0x75: {  	s25 =	rddreg [dreg:$0x19];
	[sflag:s10] =	ssyncadd.s32 $0xFFFFD800  }
0x76: {  	[tilespmem:s4], [sflag:$0x4] =	stream.linear.gather [spmem:s25], $0x2800, $0x38;
	[tilespmem:$0x19280] =	vst v63  }
0x77: {  	_ =	swait.ge [sflag:s10], $0x2800  }
0x78: {  	[sflag:s10] =	ssyncset.done $0x0  }
0x79: {  	s19 =	rddreg [dreg:$0x7];
	[sflag:s10] =	ssyncadd.s32 $0xFFFFD800  }
0x7a: {  	[hbm4b:s19+s4] =	stream.linear.scatter [tilespmem:s4], [sflag:$0x4], $0x2800, $0x38;
	[tilespmem:$0x19280] =	vst v63  }
0x7b: {  	_ =	swait.ge [sflag:s10], $0x2800  }
0x7c: {  	[sflag:s10] =	ssyncset.done $0x0  }
0x7d: {  	s28 =	rddreg [dreg:$0x1b];
	[sflag:s10] =	ssyncadd.s32 $0xFFFFD800  }
0x7e: {  	[tilespmem:s4], [sflag:$0x4] =	stream.linear.gather [spmem:s28], $0x2800, $0x38;
	[tilespmem:$0x19280] =	vst v63  }
0x7f: {  	s29 =	sadd.s32 $0x1, s29;
	_ =	swait.ge [sflag:s10], $0x2800  }
0x80: {  	p0 =	sne.s32 s29, s21;
	[sflag:s10] =	ssyncset.done $0x0  }
.Ltmp1:
0x81: {  	[sflag:s10] =	ssyncadd.s32 $0xFFFFD800;
	(pc) =	sbr.rel @!p0 .LBB2_9-.Ltmp1, $4  }
0x82: {  	[hbm4b:s9+s4] =	stream.linear.scatter [tilespmem:s4], [sflag:$0x4], $0x2800, $0x38;
	[tilespmem:$0x19280] =	vst v63  }
0x83: {  	_ =	swait.ge [sflag:s10], $0x2800  }
0x84: {  	[sflag:s10] =	ssyncset.done $0x0  }
0x85: {  	s30 =	smov.u32 s9;
	s19 =	smov.u32 s21;
	[sflag:s10] =	ssyncadd.s32 $0xFFFFD800  }
.LBB2_1:
0x86: {  	s0 =	rddreg [dreg:$0x8];
	s21 =	simm.s32 $0x5200  }
0x87: {  	[tilespmem:s21], [sflag:$0x4] =	stream.linear.gather [hbm4b:s0+s4], $0x80, $0x38;
	[tilespmem:$0x19280] =	vst v63  }
0x88: {  	_ =	swait.ge [sflag:s10], $0x80  }
0x89: {  	[sflag:s10] =	ssyncset.done $0x0  }
0x8a: {  	s21 =	rddreg [dreg:$0xe];
	[sflag:s10] =	ssyncadd.s32 $0xFFFFFF80  }
0x8b: {  	v0 =	vld [tilespmem:$0x5200];
	[tilespmem:s4], [sflag:$0x4] =	stream.linear.gather [hbm4b:s21+s4], $0x2800, $0x38  }
0x8c: {  	_ =	swait.ge [sflag:s10], $0x2800  }
0x8d: {  	[sflag:s10] =	ssyncset.done $0x0  }
0x8e: {  	[sflag:s10] =	ssyncadd.s32 $0xFFFFD800  }
0x8f: {  	[spmem:s11] =	stream.linear.scatter [tilespmem:s4], [sflag:$0x4], $0x2800, $0x38;
	[tilespmem:$0x19280] =	vst v63  }
0x90: {  	_ =	swait.ge [sflag:s10], $0x2800  }
0x91: {  	[sflag:s10] =	ssyncset.done $0x0  }
0x92: {  	s9 =	smov.u32 s30;
	s30 =	rddreg [dreg:$0xf];
	[sflag:s10] =	ssyncadd.s32 $0xFFFFD800  }
0x93: {  	[tilespmem:s4], [sflag:$0x4] =	stream.linear.gather [hbm4b:s30+s4], $0x2800, $0x38;
	[tilespmem:$0x19280] =	vst v63  }
0x94: {  	_ =	swait.ge [sflag:s10], $0x2800  }
0x95: {  	[sflag:s10] =	ssyncset.done $0x0  }
0x96: {  	[sflag:s10] =	ssyncadd.s32 $0xFFFFD800  }
0x97: {  	[spmem:s16] =	stream.linear.scatter [tilespmem:s4], [sflag:$0x4], $0x2800, $0x38;
	[tilespmem:$0x19280] =	vst v63  }
0x98: {  	_ =	swait.ge [sflag:s10], $0x2800  }
0x99: {  	[sflag:s10] =	ssyncset.done $0x0  }
0x9a: {  	s21 =	rddreg [dreg:$0x10];
	[sflag:s10] =	ssyncadd.s32 $0xFFFFD800  }
0x9b: {  	[tilespmem:s4], [sflag:$0x4] =	stream.linear.gather [hbm4b:s21+s4], $0x2800, $0x38;
	[tilespmem:$0x19280] =	vst v63  }
0x9c: {  	_ =	swait.ge [sflag:s10], $0x2800  }
0x9d: {  	[sflag:s10] =	ssyncset.done $0x0  }
0x9e: {  	[sflag:s10] =	ssyncadd.s32 $0xFFFFD800  }
0x9f: {  	[spmem:s6] =	stream.linear.scatter [tilespmem:s4], [sflag:$0x4], $0x2800, $0x38;
	[tilespmem:$0x19280] =	vst v63  }
0xa0: {  	_ =	swait.ge [sflag:s10], $0x2800  }
0xa1: {  	[sflag:s10] =	ssyncset.done $0x0  }
0xa2: {  	s30 =	rddreg [dreg:$0x12];
	[sflag:s10] =	ssyncadd.s32 $0xFFFFD800  }
0xa3: {  	[tilespmem:s4], [sflag:$0x4] =	stream.linear.gather [hbm4b:s30+s4], $0x2800, $0x38;
	[tilespmem:$0x19280] =	vst v63  }
0xa4: {  	_ =	swait.ge [sflag:s10], $0x2800  }
0xa5: {  	[sflag:s10] =	ssyncset.done $0x0  }
0xa6: {  	[sflag:s10] =	ssyncadd.s32 $0xFFFFD800  }
0xa7: {  	[spmem:s17] =	stream.linear.scatter [tilespmem:s4], [sflag:$0x4], $0x2800, $0x38;
	[tilespmem:$0x19280] =	vst v63  }
0xa8: {  	_ =	swait.ge [sflag:s10], $0x2800  }
0xa9: {  	[sflag:s10] =	ssyncset.done $0x0  }
0xaa: {  	s21 =	rddreg [dreg:$0x14];
	[sflag:s10] =	ssyncadd.s32 $0xFFFFD800  }
0xab: {  	[tilespmem:s4], [sflag:$0x4] =	stream.linear.gather [hbm4b:s21+s4], $0x2800, $0x38;
	[tilespmem:$0x19280] =	vst v63  }
0xac: {  	_ =	swait.ge [sflag:s10], $0x2800  }
0xad: {  	[sflag:s10] =	ssyncset.done $0x0  }
0xae: {  	[sflag:s10] =	ssyncadd.s32 $0xFFFFD800  }
0xaf: {  	[spmem:s31] =	stream.linear.scatter [tilespmem:s4], [sflag:$0x4], $0x2800, $0x38;
	[tilespmem:$0x19280] =	vst v63  }
0xb0: {  	_ =	swait.ge [sflag:s10], $0x2800  }
0xb1: {  	[sflag:s10] =	ssyncset.done $0x0  }
0xb2: {  	s30 =	rddreg [dreg:$0x16];
	[sflag:s10] =	ssyncadd.s32 $0xFFFFD800  }
0xb3: {  	[tilespmem:s4], [sflag:$0x4] =	stream.linear.gather [hbm4b:s30+s4], $0x2800, $0x38;
	[tilespmem:$0x19280] =	vst v63  }
0xb4: {  	_ =	swait.ge [sflag:s10], $0x2800  }
0xb5: {  	[sflag:s10] =	ssyncset.done $0x0  }
0xb6: {  	[sflag:s10] =	ssyncadd.s32 $0xFFFFD800  }
0xb7: {  	[spmem:s5] =	stream.linear.scatter [tilespmem:s4], [sflag:$0x4], $0x2800, $0x38;
	[tilespmem:$0x19280] =	vst v63  }
0xb8: {  	_ =	swait.ge [sflag:s10], $0x2800  }
0xb9: {  	[sflag:s10] =	ssyncset.done $0x0  }
0xba: {  	s21 =	rddreg [dreg:$0x18];
	[sflag:s10] =	ssyncadd.s32 $0xFFFFD800  }
0xbb: {  	[tilespmem:s4], [sflag:$0x4] =	stream.linear.gather [hbm4b:s21+s4], $0x2800, $0x38;
	[tilespmem:$0x19280] =	vst v63  }
0xbc: {  	_ =	swait.ge [sflag:s10], $0x2800  }
0xbd: {  	[sflag:s10] =	ssyncset.done $0x0  }
0xbe: {  	s31 =	smov.u32 s25;
	[sflag:s10] =	ssyncadd.s32 $0xFFFFD800  }
0xbf: {  	[spmem:s31] =	stream.linear.scatter [tilespmem:s4], [sflag:$0x4], $0x2800, $0x38;
	[tilespmem:$0x19280] =	vst v63  }
0xc0: {  	_ =	swait.ge [sflag:s10], $0x2800  }
0xc1: {  	[sflag:s10] =	ssyncset.done $0x0  }
0xc2: {  	s30 =	rddreg [dreg:$0x1a];
	[sflag:s10] =	ssyncadd.s32 $0xFFFFD800  }
0xc3: {  	[tilespmem:s4], [sflag:$0x4] =	stream.linear.gather [hbm4b:s30+s4], $0x2800, $0x38;
	[tilespmem:$0x19280] =	vst v63  }
0xc4: {  	_ =	swait.ge [sflag:s10], $0x2800  }
0xc5: {  	[sflag:s10] =	ssyncset.done $0x0  }
0xc6: {  	[sflag:s10] =	ssyncadd.s32 $0xFFFFD800  }
0xc7: {  	[spmem:s28] =	stream.linear.scatter [tilespmem:s4], [sflag:$0x4], $0x2800, $0x38;
	[tilespmem:$0x19280] =	vst v63  }
0xc8: {  	_ =	swait.ge [sflag:s10], $0x2800  }
0xc9: {  	(v2sf) =	vpush v0, $0x0;
	_ =	sdelay $0xe  }
0xca: {  	s31 =	spop (v2sf)  }
0xcb: {  	p0 =	sgt.f32 s31, $5.000000000e-01  }
.Ltmp2:
0xcc: {  	_ = 	snop;
	(pc) =	sbr.rel @!p0 .LBB2_5-.Ltmp2, $4  }
0xcd: {  	[sflag:s10] =	ssyncset.done $0x0  }
0xce: {  	[sflag:s10] =	ssyncadd.s32 $0xFFFFD800  }
0xcf: {  	[bflag:$0x0] =	sbarrier.arrive $0xFFFF  }
0xd0: {  	s25 =	smov.u32 s5  }
0xd1: {  	s0 =	simm.s32 $0x0;
	s5 =	rddreg [dreg:$0x9]  }
0xd2: {  	[tilespmem:s0], [sflag:$0x4] =	stream.linear.gather [hbm4b:s5+s0], $0x2800, $0x38;
	[tilespmem:$0x19280] =	vst v63  }
0xd3: {  	_ =	swait.ge [sflag:s10], $0x2800  }
0xd4: {  	[sflag:s10] =	ssyncset.done $0x0  }
0xd5: {  	s30 =	rddreg [dreg:$0xb];
	[sflag:s10] =	ssyncadd.s32 $0xFFFFD800  }
0xd6: {  	[tilespmem:s12], [sflag:$0x3] =	stream.linear.gather [hbm4b:s30+s0], $0x50, $0x38;
	[tilespmem:$0x19280] =	vst v63  }
0xd7: {  	s17 =	rddreg [dreg:$0xd]  }
0xd8: {  	[tilespmem:s13], [sflag:$0x3] =	stream.linear.gather [hbm4b:s17+s0], $0x50, $0x38;
	[tilespmem:$0x19280] =	vst v63  }
0xd9: {  	_ =	swait.ge [sflag:s15], $0x50  }
0xda: {  	[sflag:s15] =	ssyncset.done $0x0  }
0xdb: {  	[sflag:s15] =	ssyncadd.s32 $0xFFFFFFB0  }
0xdc: {  	[spmem:s3] =	stream.indirect.scatter.add.f32 [tilespmem:s4], [sflag:$0x2], $0x80, s12, s18, $0xb8;
	[tilespmem:$0x19280] =	vst v63  }
0xdd: {  	_ =	swait.ge [sflag:s15], $0x50  }
0xde: {  	[sflag:s15] =	ssyncset.done $0x0  }
0xdf: {  	[sflag:s15] =	ssyncadd.s32 $0xFFFFFFB0  }
0xe0: {  	_ =	swait.ge [sflag:s20], $0x2800  }
0xe1: {  	s21 =	rddreg [dreg:$0x1d]  }
0xe2: {  	[sflag:s20] =	ssyncset.done $0x0;
	s30 =	sshrl.u32 s21, $0x3  }
0xe3: {  	[sflag:s20] =	ssyncadd.s32 $0xFFFFD800;
	s0 =	sadd.s32 s2, s30  }
0xe4: {  	[tilespmem:s12], [sflag:$0x3] =	stream.linear.gather [hbm4b:s0+s4], $0x50, $0x38;
	[tilespmem:$0x19280] =	vst v63  }
0xe5: {  	_ = 	snop  }
0xe6: {  	[spmem:s3] =	stream.indirect.scatter.add.f32 [tilespmem:s4], [sflag:$0x2], $0x80, s13, s18, $0xb8;
	[tilespmem:$0x19280] =	vst v63  }
0xe7: {  	_ =	swait.ge [sflag:s20], $0x2800  }
0xe8: {  	s31 =	sadd.s32 $0x0, s7;
	s17 =	sadd.s32 $0xA0, s21;
	[sflag:s20] =	ssyncset.done $0x0  }
0xe9: {  	s0 =	simm.s32 $0x14;
	s28 =	sld [smem:$0x7FC];
	[sflag:s20] =	ssyncadd.s32 $0xFFFFD800  }
.LBB2_3:
0xea: {  	[tilespmem:s13], [sflag:$0x3] =	stream.linear.gather [hbm4b:s31+s4], $0x50, $0x38;
	[tilespmem:$0x19280] =	vst v63  }
0xeb: {  	s31 =	smov.u32 s0  }
0xec: {  	p0 =	sne.s32 s0, $0x4C4;
	s0 =	sadd.s32 $0x14, s0;
	_ =	swait.ge [sflag:s15], $0x50  }
0xed: {  	[sflag:s15] =	ssyncset.done $0x0  }
0xee: {  	[sflag:s15] =	ssyncadd.s32 $0xFFFFFFB0  }
0xef: {  	[spmem:s3] =	stream.indirect.scatter.add.f32 [tilespmem:s4], [sflag:$0x2], $0x80, s12, s18, $0xb8;
	[tilespmem:$0x19280] =	vst v63  }
0xf0: {  	_ =	swait.ge [sflag:s15], $0x50  }
0xf1: {  	[sflag:s15] =	ssyncset.done $0x0  }
0xf2: {  	[sflag:s15] =	ssyncadd.s32 $0xFFFFFFB0  }
0xf3: {  	_ =	swait.ge [sflag:s20], $0x2800  }
0xf4: {  	s5 =	sshrl.u32 s17, $0x3;
	[sflag:s20] =	ssyncset.done $0x0  }
0xf5: {  	s5 =	sadd.s32 s2, s5;
	[sflag:s20] =	ssyncadd.s32 $0xFFFFD800  }
0xf6: {  	[tilespmem:s12], [sflag:$0x3] =	stream.linear.gather [hbm4b:s5+s4], $0x50, $0x38;
	[tilespmem:$0x19280] =	vst v63  }
.Ltmp3:
0xf7: {  	(pc) =	sbr.rel @p0 .LBB2_3-.Ltmp3, $4  }
0xf8: {  	[spmem:s3] =	stream.indirect.scatter.add.f32 [tilespmem:s4], [sflag:$0x2], $0x80, s13, s18, $0xb8;
	[tilespmem:$0x19280] =	vst v63  }
0xf9: {  	_ =	swait.ge [sflag:s20], $0x2800  }
0xfa: {  	[sflag:s20] =	ssyncset.done $0x0  }
0xfb: {  	s17 =	sadd.s32 $0xA0, s17;
	s31 =	sadd.s32 s31, s7;
	[sflag:s20] =	ssyncadd.s32 $0xFFFFD800  }
0xfc: {  	[tilespmem:s13], [sflag:$0x3] =	stream.linear.gather [hbm4b:s31+s4], $0x50, $0x38;
	[tilespmem:$0x19280] =	vst v63  }
.Ltmp4:
0xfd: {  	_ =	swait.ge [sflag:s15], $0x50;
	(pc) =	sbr.rel .LBB2_8-.Ltmp4, $4  }
0xfe: {  	s0 =	rddreg [dreg:$0x1f]  }
0xff: {  	s5 =	smov.u32 s25;
	[sflag:s15] =	ssyncset.done $0x0;
	s17 =	sld [smem:$0x7FA]  }
0x100: {  	s21 =	smov.u32 s19;
	s31 =	sld [smem:$0x7FB];
	[sflag:s15] =	ssyncadd.s32 $0xFFFFFFB0  }
0x101: {  	[spmem:s3] =	stream.indirect.scatter.add.f32 [tilespmem:s4], [sflag:$0x2], $0x80, s12, s18, $0xb8;
	[tilespmem:$0x19280] =	vst v63  }
.LBB2_5:
0x102: {  	s28 =	sld [smem:$0x7FC]  }
0x103: {  	s6 =	sld [smem:$0x7FB]  }
0x104: {  	s9 =	sld [smem:$0x7FA]  }
0x105: {  	s0 =	simm.s32 $0x0;
	s5 =	rddreg [dreg:$0xa]  }
0x106: {  	[tilespmem:s22], [sflag:$0x3] =	stream.linear.gather [hbm4b:s5+s0], $0x50, $0x38;
	[tilespmem:$0x19280] =	vst v63  }
0x107: {  	s21 =	rddreg [dreg:$0xb]  }
0x108: {  	[tilespmem:s12], [sflag:$0x3] =	stream.linear.gather [hbm4b:s21+s0], $0x50, $0x38;
	[tilespmem:$0x19280] =	vst v63  }
0x109: {  	s19 =	rddreg [dreg:$0x1f];
	_ =	swait.ge [sflag:s15], $0x50  }
0x10a: {  	[sflag:s15] =	ssyncset.done $0x0  }
0x10b: {  	[sflag:s15] =	ssyncadd.s32 $0xFFFFFFB0  }
0x10c: {  	_ =	swait.ge [sflag:s15], $0x50  }
0x10d: {  	[sflag:s15] =	ssyncset.done $0x0  }
0x10e: {  	[sflag:s15] =	ssyncadd.s32 $0xFFFFFFB0  }
0x10f: {  	[tilespmem:s0], [sflag:$0x1] =	stream.indirect.gather [hbm4b:s14+s18], $0x80, s22, s18, $0xb8;
	[tilespmem:$0x19280] =	vst v63  }
0x110: {  	s30 =	rddreg [dreg:$0xc]  }
0x111: {  	[tilespmem:s23], [sflag:$0x3] =	stream.linear.gather [hbm4b:s30+s0], $0x50, $0x38;
	[tilespmem:$0x19280] =	vst v63  }
0x112: {  	s11 =	rddreg [dreg:$0xd]  }
0x113: {  	[tilespmem:s13], [sflag:$0x3] =	stream.linear.gather [hbm4b:s11+s0], $0x50, $0x38;
	[tilespmem:$0x19280] =	vst v63  }
0x114: {  	_ =	swait.ge [sflag:s24], $0x2800  }
0x115: {  	[sflag:s24] =	ssyncset.done $0x0  }
0x116: {  	[sflag:s24] =	ssyncadd.s32 $0xFFFFD800  }
0x117: {  	[spmem:s3] =	stream.indirect.scatter.add.f32 [tilespmem:s4], [sflag:$0x2], $0x80, s12, s18, $0xb8;
	[tilespmem:$0x19280] =	vst v63  }
0x118: {  	_ =	swait.ge [sflag:s15], $0x50  }
0x119: {  	[sflag:s15] =	ssyncset.done $0x0  }
0x11a: {  	[sflag:s15] =	ssyncadd.s32 $0xFFFFFFB0  }
0x11b: {  	_ =	swait.ge [sflag:s15], $0x50  }
0x11c: {  	[sflag:s15] =	ssyncset.done $0x0  }
0x11d: {  	[sflag:s15] =	ssyncadd.s32 $0xFFFFFFB0  }
0x11e: {  	[tilespmem:s26], [sflag:$0x1] =	stream.indirect.gather [hbm4b:s14+s18], $0x80, s23, s18, $0xb8;
	[tilespmem:$0x19280] =	vst v63  }
0x11f: {  	_ =	swait.ge [sflag:s20], $0x2800  }
0x120: {  	s21 =	rddreg [dreg:$0x1d]  }
0x121: {  	[sflag:s20] =	ssyncset.done $0x0;
	s16 =	sshrl.u32 s21, $0x3  }
0x122: {  	[sflag:s20] =	ssyncadd.s32 $0xFFFFD800;
	s17 =	sadd.s32 s1, s16  }
0x123: {  	[tilespmem:s22], [sflag:$0x3] =	stream.linear.gather [hbm4b:s17+s4], $0x50, $0x38;
	[tilespmem:$0x19280] =	vst v63  }
0x124: {  	s0 =	sadd.s32 s2, s16  }
0x125: {  	[tilespmem:s12], [sflag:$0x3] =	stream.linear.gather [hbm4b:s0+s4], $0x50, $0x38;
	[tilespmem:$0x19280] =	vst v63  }
0x126: {  	_ =	swait.ge [sflag:s24], $0x2800  }
0x127: {  	[sflag:s24] =	ssyncset.done $0x0  }
0x128: {  	[sflag:s24] =	ssyncadd.s32 $0xFFFFD800  }
0x129: {  	[spmem:s3] =	stream.indirect.scatter.add.f32 [tilespmem:s26], [sflag:$0x2], $0x80, s13, s18, $0xb8;
	[tilespmem:$0x19280] =	vst v63  }
0x12a: {  	_ =	swait.ge [sflag:s15], $0x50  }
0x12b: {  	[sflag:s15] =	ssyncset.done $0x0  }
0x12c: {  	[sflag:s15] =	ssyncadd.s32 $0xFFFFFFB0  }
0x12d: {  	_ =	swait.ge [sflag:s15], $0x50  }
0x12e: {  	[sflag:s15] =	ssyncset.done $0x0  }
0x12f: {  	[sflag:s15] =	ssyncadd.s32 $0xFFFFFFB0  }
0x130: {  	[tilespmem:s4], [sflag:$0x1] =	stream.indirect.gather [hbm4b:s14+s18], $0x80, s22, s18, $0xb8;
	[tilespmem:$0x19280] =	vst v63  }
0x131: {  	_ =	swait.ge [sflag:s20], $0x2800  }
0x132: {  	s31 =	simm.s32 $0x14;
	s30 =	sadd.s32 $0x0, s8;
	[sflag:s20] =	ssyncset.done $0x0  }
0x133: {  	s17 =	sadd.s32 $0x0, s7;
	s0 =	sadd.s32 $0xA0, s21;
	[sflag:s20] =	ssyncadd.s32 $0xFFFFD800  }
0x134: {  	[tilespmem:s23], [sflag:$0x3] =	stream.linear.gather [hbm4b:s30+s4], $0x50, $0x38;
	[tilespmem:$0x19280] =	vst v63  }
.LBB2_6:
0x135: {  	[tilespmem:s13], [sflag:$0x3] =	stream.linear.gather [hbm4b:s17+s4], $0x50, $0x38;
	[tilespmem:$0x19280] =	vst v63  }
0x136: {  	s17 =	smov.u32 s31  }
0x137: {  	p0 =	sne.s32 s31, $0x4C4;
	s31 =	sadd.s32 $0x14, s31;
	_ =	swait.ge [sflag:s24], $0x2800  }
0x138: {  	[sflag:s24] =	ssyncset.done $0x0  }
0x139: {  	[sflag:s24] =	ssyncadd.s32 $0xFFFFD800  }
0x13a: {  	[spmem:s3] =	stream.indirect.scatter.add.f32 [tilespmem:s4], [sflag:$0x2], $0x80, s12, s18, $0xb8;
	[tilespmem:$0x19280] =	vst v63  }
0x13b: {  	_ =	swait.ge [sflag:s15], $0x50  }
0x13c: {  	[sflag:s15] =	ssyncset.done $0x0  }
0x13d: {  	[sflag:s15] =	ssyncadd.s32 $0xFFFFFFB0  }
0x13e: {  	_ =	swait.ge [sflag:s15], $0x50  }
0x13f: {  	[sflag:s15] =	ssyncset.done $0x0  }
0x140: {  	[sflag:s15] =	ssyncadd.s32 $0xFFFFFFB0  }
0x141: {  	[tilespmem:s26], [sflag:$0x1] =	stream.indirect.gather [hbm4b:s14+s18], $0x80, s23, s18, $0xb8;
	[tilespmem:$0x19280] =	vst v63  }
0x142: {  	_ =	swait.ge [sflag:s20], $0x2800  }
0x143: {  	s5 =	sshrl.u32 s0, $0x3;
	[sflag:s20] =	ssyncset.done $0x0  }
0x144: {  	s21 =	sadd.s32 s1, s5;
	[sflag:s20] =	ssyncadd.s32 $0xFFFFD800  }
0x145: {  	[tilespmem:s22], [sflag:$0x3] =	stream.linear.gather [hbm4b:s21+s4], $0x50, $0x38;
	[tilespmem:$0x19280] =	vst v63  }
0x146: {  	s5 =	sadd.s32 s2, s5  }
0x147: {  	[tilespmem:s12], [sflag:$0x3] =	stream.linear.gather [hbm4b:s5+s4], $0x50, $0x38;
	[tilespmem:$0x19280] =	vst v63  }
0x148: {  	_ =	swait.ge [sflag:s24], $0x2800  }
0x149: {  	[sflag:s24] =	ssyncset.done $0x0  }
0x14a: {  	[sflag:s24] =	ssyncadd.s32 $0xFFFFD800  }
0x14b: {  	[spmem:s3] =	stream.indirect.scatter.add.f32 [tilespmem:s26], [sflag:$0x2], $0x80, s13, s18, $0xb8;
	[tilespmem:$0x19280] =	vst v63  }
0x14c: {  	_ =	swait.ge [sflag:s15], $0x50  }
0x14d: {  	[sflag:s15] =	ssyncset.done $0x0  }
0x14e: {  	[sflag:s15] =	ssyncadd.s32 $0xFFFFFFB0  }
0x14f: {  	_ =	swait.ge [sflag:s15], $0x50  }
0x150: {  	[sflag:s15] =	ssyncset.done $0x0  }
0x151: {  	[sflag:s15] =	ssyncadd.s32 $0xFFFFFFB0  }
0x152: {  	[tilespmem:s4], [sflag:$0x1] =	stream.indirect.gather [hbm4b:s14+s18], $0x80, s22, s18, $0xb8;
	[tilespmem:$0x19280] =	vst v63  }
.Ltmp5:
0x153: {  	_ =	swait.ge [sflag:s20], $0x2800;
	(pc) =	sbr.rel @p0 .LBB2_6-.Ltmp5, $4  }
0x154: {  	[sflag:s20] =	ssyncset.done $0x0  }
0x155: {  	s5 =	sadd.s32 s17, s8;
	[sflag:s20] =	ssyncadd.s32 $0xFFFFD800  }
0x156: {  	[tilespmem:s23], [sflag:$0x3] =	stream.linear.gather [hbm4b:s5+s4], $0x50, $0x38;
	[tilespmem:$0x19280] =	vst v63  }
0x157: {  	s0 =	sadd.s32 $0xA0, s0;
	s17 =	sadd.s32 s17, s7  }
.Ltmp6:
0x158: {  	_ = 	snop;
	(pc) =	sbr.rel .LBB2_7-.Ltmp6, $1  }
0x159: {  	_ =	sdelay $0x3  }
.LBB2_9:
0x15a: {  	_ =	sfence.sel $0x180000  }
0x15b: {  	[bflag:$0x0] =	sbarrier.arrive $0xFFFF  }
0x15c: {  	_ =	strace $0x90000047  }
0x15d: {  	s0 =	stileid.u32;
	[bflag:$0x2] =	sbarrier.arrive $0xFFFF  }
0x15e: {  	p0 =	sne.s32 s0, $0x0;
	s0 =	rddreg [dreg:$0x4]  }
0x15f: {  	s0 =	sadd.s32 @!p0 $0x100000, s0  }
0x160: {  	[sflag:s0] =	ssyncadd.tile.s32 @!p0 $0x1;
	_ =	shalt  }
.Lfunc_end2:
_tile_overlayer_lowered:
.L_overlay_start_2:
0x161: {  	(tag) =	ssettag $0x2  }
0x162: {  	s0 =	rddreg [dreg:$0x0];
	s2 =	stileid.u32  }
0x163: {  	s1 =	rddreg [dreg:$0x1];
	p0 =	sne.s32 s2, $0x0  }
0x164: {  	s3 =	rddreg [dreg:$0x2];
	[bflag:$0x3] =	sbarrier.arrive $0xFFFF;
	s2 =	simm.s32 @!p0 $0x1C04  }
0x165: {  	[timem:s3], [sflag:s2] =	dma.local @!p0 [hbm:s0], s1  }
0x166: {  	s0 =	simm.s32 @!p0 $0x4  }
0x167: {  	_ =	swait.ge @!p0 [sflag:s0], s1  }
0x168: {  	s1 =	ssub.s32 @!p0 $0x0, s1;
	[sflag:s0] =	ssyncset.done @!p0 $0x0  }
0x169: {  	[sflag:s0] =	ssyncadd.s32 @!p0 s1  }
0x16a: {  	[bflag:$0x3] =	sbarrier.arrive $0xFFFF  }
0x16b: {  	_ =	shalt  }

</sc_bundles>
